<compile_context>
chip_gen: v7x
topology: tpu7x:2x2x1
jax: 0.10.2.dev20260603
libtpu: 0.0.44.dev20260713+nightly
codegen_flags: <defaults>
</compile_context>

<pallas_src>
import functools

import jax
import jax.numpy as jnp
from jax import lax
from jax.experimental import pallas as pl
from jax.experimental.pallas import tpu as pltpu
from jax.experimental.pallas import tpu_sc as plsc

_EPS = 1e-5
_LAMDA = 0.001
_NC, _NS = 2, 16
_NW = _NC * _NS
_CHUNK = 128
_ACC = 10240
_ZR = _ACC // _NS
_BLK = 2000

def _mesh():
    return plsc.VectorSubcoreMesh(core_axis_name="c", subcore_axis_name="s",
                                  num_cores=_NC, num_subcores=_NS)



def _make_deg_kernel(kch):
    @functools.partial(
        pl.kernel,
        out_type=jax.ShapeDtypeStruct((_NC, _ACC), jnp.float32),
        mesh=_mesh(),
        scratch_types=[
            pltpu.VMEM((kch, _CHUNK), jnp.int32),
            pltpu.VMEM((_CHUNK,), jnp.float32),
            pltpu.VMEM((_ZR,), jnp.float32),
            pltpu.VMEM_SHARED((_ACC,), jnp.float32),
        ],
    )
    def deg_kernel(dst_hbm, degp_hbm, idx_v, ones_v, zer_v, acc_sh):
        c = lax.axis_index("c")
        s = lax.axis_index("s")
        wid = c * _NS + s

        def zrow(i, carry):
            zer_v[pl.ds(i * 16, 16)] = jnp.zeros((16,), jnp.float32)
            return carry

        lax.fori_loop(0, _ZR // 16, zrow, 0)
        for i in range(_CHUNK // 16):
            ones_v[pl.ds(i * 16, 16)] = jnp.ones((16,), jnp.float32)
        pltpu.sync_copy(zer_v, acc_sh.at[pl.ds(s * _ZR, _ZR)])
        pltpu.sync_copy(dst_hbm.at[wid], idx_v)
        plsc.subcore_barrier()

        def body(j, carry):
            pltpu.sync_copy(ones_v, acc_sh.at[idx_v.at[j]], add=True)
            return carry

        lax.fori_loop(0, kch, body, 0)
        plsc.subcore_barrier()

        @pl.when(s == 0)
        def _dump():
            pltpu.sync_copy(acc_sh, degp_hbm.at[c])

    return deg_kernel


def _make_agg_kernel(kch, n, f):
    @functools.partial(
        pl.kernel,
        out_type=jax.ShapeDtypeStruct((_NC, _ACC, f), jnp.float32),
        mesh=_mesh(),
        scratch_types=[
            pltpu.VMEM((kch, _CHUNK), jnp.int32),
            pltpu.VMEM((kch, _CHUNK), jnp.int32),
            pltpu.VMEM((_CHUNK, f), jnp.float32),
            pltpu.VMEM((_ZR, f), jnp.float32),
            pltpu.VMEM_SHARED((_ACC, f), jnp.float32),
            pltpu.SemaphoreType.DMA,
        ],
        compiler_params=pltpu.CompilerParams(use_tc_tiling_on_sc=False),
    )
    def agg_kernel(h_hbm, src_hbm, dst_hbm, pp_hbm, sidx, didx, rows, zer,
                   acc_sh, sem):
        c = lax.axis_index("c")
        s = lax.axis_index("s")
        wid = c * _NS + s

        def zrow(i, carry):
            zer[i, :] = jnp.zeros((f,), jnp.float32)
            return carry

        lax.fori_loop(0, _ZR, zrow, 0)
        pltpu.sync_copy(zer, acc_sh.at[pl.ds(s * _ZR, _ZR)])
        pltpu.sync_copy(src_hbm.at[wid], sidx)
        pltpu.sync_copy(dst_hbm.at[wid], didx)
        plsc.subcore_barrier()

        def body(j, carry):
            pltpu.async_copy(h_hbm.at[sidx.at[j]], rows, sem).wait()
            pltpu.sync_copy(rows, acc_sh.at[didx.at[j]], add=True)
            return carry

        lax.fori_loop(0, kch, body, 0)
        plsc.subcore_barrier()

        @pl.when(s == 0)
        def _dump():
            pltpu.sync_copy(acc_sh, pp_hbm.at[c])

    return agg_kernel



def _tc1_body(x_ref, w_ref, degt_ref, hs_ref, dinv_ref):
    h = jnp.dot(x_ref[...], w_ref[...], preferred_element_type=jnp.float32)
    deg = degt_ref[:, 0:1] + degt_ref[:, 1:2] + 1.0
    dinv = lax.rsqrt(deg)
    hs_ref[...] = h * dinv
    dinv_ref[...] = jnp.broadcast_to(dinv, dinv_ref.shape)


def _tc1(x, w1, degt, n, f):
    grid = n // _BLK
    return pl.pallas_call(
        _tc1_body,
        grid=(grid,),
        in_specs=[
            pl.BlockSpec((_BLK, x.shape[1]), lambda i: (i, 0)),
            pl.BlockSpec(w1.shape, lambda i: (0, 0)),
            pl.BlockSpec((_BLK, 2), lambda i: (i, 0)),
        ],
        out_specs=[
            pl.BlockSpec((_BLK, f), lambda i: (i, 0)),
            pl.BlockSpec((_BLK, f), lambda i: (i, 0)),
        ],
        out_shape=[
            jax.ShapeDtypeStruct((n, f), jnp.float32),
            jax.ShapeDtypeStruct((n, f), jnp.float32),
        ],
    )(x, w1, degt)


def _tc2_body(p0_ref, p1_ref, hs_ref, dinv_ref, lw_ref, lb_ref, a_ref, c_ref,
              w2_ref, out_ref):
    agg = dinv_ref[...] * (p0_ref[...] + p1_ref[...] + hs_ref[...])
    z = jnp.dot(agg, lw_ref[...], preferred_element_type=jnp.float32)
    s = jax.nn.softmax(z + lb_ref[...], axis=-1)
    t = jnp.dot(s, a_ref[...], preferred_element_type=jnp.float32)
    d = agg + _LAMDA * (agg * t + c_ref[...])
    r = jnp.maximum(d, 0.0)
    h2 = jnp.dot(r, w2_ref[...], preferred_element_type=jnp.float32)
    out_ref[...] = h2 * dinv_ref[...]


def _tc3_body(p0_ref, p1_ref, hs_ref, dinv_ref, lw_ref, lb_ref, a_ref, c_ref,
              out_ref):
    agg = dinv_ref[...] * (p0_ref[...] + p1_ref[...] + hs_ref[...])
    z = jnp.dot(agg, lw_ref[...], preferred_element_type=jnp.float32)
    s = jax.nn.softmax(z + lb_ref[...], axis=-1)
    t = jnp.dot(s, a_ref[...], preferred_element_type=jnp.float32)
    d = agg + _LAMDA * (agg * t + c_ref[...])
    out_ref[...] = jnp.maximum(d, 0.0)


def _tc_norm(body, p0, p1, hs, dinv16, lw, lb, a, cvec, *extra):
    n, f = hs.shape
    grid = n // _BLK
    row = lambda i: (i, 0)
    zero = lambda i: (0, 0)
    in_specs = [
        pl.BlockSpec((_BLK, f), row),
        pl.BlockSpec((_BLK, f), row),
        pl.BlockSpec((_BLK, f), row),
        pl.BlockSpec((_BLK, f), row),
        pl.BlockSpec(lw.shape, zero),
        pl.BlockSpec(lb.shape, zero),
        pl.BlockSpec(a.shape, zero),
        pl.BlockSpec(cvec.shape, zero),
    ] + [pl.BlockSpec(e.shape, zero) for e in extra]
    return pl.pallas_call(
        body,
        grid=(grid,),
        in_specs=in_specs,
        out_specs=pl.BlockSpec((_BLK, f), row),
        out_shape=jax.ShapeDtypeStruct((n, f), jnp.float32),
    )(p0, p1, hs, dinv16, lw, lb, a, cvec, *extra)



def kernel(x, edge_index, W1, W2, lin1_w, lin1_b, g1, b1, rm1, rv1,
           lin2_w, lin2_b, g2, b2, rm2, rv2):
    n, d_in = x.shape
    hid = W1.shape[1]
    c_out = W2.shape[1]
    g = lin1_w.shape[1]
    e = edge_index.shape[1]

    kch = -(-e // (_NW * _CHUNK))
    e_pad = _NW * kch * _CHUNK
    pad = e_pad - e
    src = jnp.concatenate([edge_index[0], jnp.zeros((pad,), jnp.int32)])
    dst = jnp.concatenate([edge_index[1], jnp.full((pad,), n, jnp.int32)])
    srcp = src.reshape(_NW, kch, _CHUNK)
    dstp = dst.reshape(_NW, kch, _CHUNK)

    a1 = (g1 * lax.rsqrt(rv1 + _EPS))
    c1 = (b1 - rm1 * a1).reshape(g, hid).sum(0, keepdims=True)
    a1 = a1.reshape(g, hid)
    a2f = (g2 * lax.rsqrt(rv2 + _EPS))
    c2 = (b2 - rm2 * a2f).reshape(g, c_out).sum(0, keepdims=True)
    a2 = a2f.reshape(g, c_out)
    fpad = hid - c_out
    a2p = jnp.pad(a2, ((0, 0), (0, fpad)))
    c2p = jnp.pad(c2, ((0, 0), (0, fpad)))
    w2p = jnp.pad(W2, ((0, 0), (0, fpad)))
    l2wp = jnp.pad(lin2_w, ((0, fpad), (0, 0)))
    l1b = lin1_b.reshape(1, g)
    l2b = lin2_b.reshape(1, g)

    deg_kernel = _make_deg_kernel(kch)
    agg_kernel = _make_agg_kernel(kch, n, hid)

    degp = deg_kernel(dstp)
    degt = degp[:, :n].T

    h0s, dinv16 = _tc1(x, W1, degt, n, hid)

    pp = agg_kernel(h0s, srcp, dstp)
    h2s = _tc_norm(_tc2_body, pp[0, :n], pp[1, :n], h0s, dinv16,
                   lin1_w, l1b, a1, c1, w2p)

    qq = agg_kernel(h2s, srcp, dstp)
    o16 = _tc_norm(_tc3_body, qq[0, :n], qq[1, :n], h2s, dinv16,
                   l2wp, l2b, a2p, c2p)
    return o16[:, :c_out]

# --- scband reference (transcript-rebuilt; emitter-appended) ---
"""Pipeline reference for scband-net-29540785062041 (READ-ONLY COPY).

The authoritative reference and input builder live on the scoring server;
editing this copy changes nothing except your own understanding.
"""

import jax, jax.numpy as jnp
import numpy as np

N = 10000
E = 320000
D_IN = 128
HID = 16
C = 7
G = 10
LAMDA = 0.001
EPS = 1e-5


def _glorot(k, fan_in, fan_out):
    limit = (6.0 / (fan_in + fan_out)) ** 0.5
    return jax.random.uniform(k, (fan_in, fan_out), minval=-limit, maxval=limit, dtype=jnp.float32)


def setup_inputs(seed: int = 0):
    key = jax.random.key(seed)
    ks = jax.random.split(key, 8)
    x = jax.random.normal(ks[0], (N, D_IN), dtype=jnp.float32)
    edge_index = jax.random.randint(ks[1], (2, E), 0, N, dtype=jnp.int32)
    W1 = _glorot(ks[2], D_IN, HID)
    W2 = _glorot(ks[3], HID, C)
    lin1_w = _glorot(ks[4], HID, G)
    lin1_b = jnp.zeros((G,), jnp.float32)
    lin2_w = _glorot(ks[5], C, G)
    lin2_b = jnp.zeros((G,), jnp.float32)
    g1 = jnp.ones((G * HID,), jnp.float32)
    b1 = jnp.zeros((G * HID,), jnp.float32)
    rm1 = jnp.zeros((G * HID,), jnp.float32)
    rv1 = jnp.ones((G * HID,), jnp.float32)
    g2 = jnp.ones((G * C,), jnp.float32)
    b2 = jnp.zeros((G * C,), jnp.float32)
    rm2 = jnp.zeros((G * C,), jnp.float32)
    rv2 = jnp.ones((G * C,), jnp.float32)
    return {"x": x, "edge_index": edge_index, "W1": W1, "W2": W2,
            "lin1_w": lin1_w, "lin1_b": lin1_b, "g1": g1, "b1": b1, "rm1": rm1, "rv1": rv1,
            "lin2_w": lin2_w, "lin2_b": lin2_b, "g2": g2, "b2": b2, "rm2": rm2, "rv2": rv2}


def _gcn_conv(x, W, edge_index):
    # GCNConv (bias=False, add_self_loops=True): D^-1/2 (A+I) D^-1/2 X W
    n = x.shape[0]
    h = x @ W
    loop = jnp.arange(n, dtype=edge_index.dtype)
    src = jnp.concatenate([edge_index[0], loop])
    dst = jnp.concatenate([edge_index[1], loop])
    deg = jax.ops.segment_sum(jnp.ones_like(dst, dtype=h.dtype), dst, num_segments=n)
    dinv = jnp.where(deg > 0, deg ** -0.5, 0.0)
    norm = dinv[src] * dinv[dst]
    msg = norm[:, None] * h[src]
    return jax.ops.segment_sum(msg, dst, num_segments=n)


def _diff_norm(x, lin_w, lin_b, gamma, beta, rmean, rvar):
    # DiffGroupNorm (eval-mode BatchNorm1d with running stats)
    n, f = x.shape
    g = lin_w.shape[1]
    s = jax.nn.softmax(x @ lin_w + lin_b, axis=-1)  # [N, G]
    out = s[:, :, None] * x[:, None, :]  # [N, G, F]
    flat = out.reshape(n, g * f)
    flat = (flat - rmean) / jnp.sqrt(rvar + EPS) * gamma + beta
    out = flat.reshape(n, g, f).sum(axis=1)
    return x + LAMDA * out


def reference(x, edge_index, W1, W2, lin1_w, lin1_b, g1, b1, rm1, rv1,
              lin2_w, lin2_b, g2, b2, rm2, rv2):
    h = _gcn_conv(x, W1, edge_index)
    h = _diff_norm(h, lin1_w, lin1_b, g1, b1, rm1, rv1)
    h = jax.nn.relu(h)
    # dropout(p=0.6) is identity in eval mode
    h = _gcn_conv(h, W2, edge_index)
    h = _diff_norm(h, lin2_w, lin2_b, g2, b2, rm2, rv2)
    h = jax.nn.relu(h)
    return h

if __name__ == "__main__":
    import jax
    _d = setup_inputs()
    print(jax.jit(kernel)(*tuple(_d.values())))

</pallas_src>

<mosaic_0001>
#map = affine_map<(d0, d1) -> (0, 0, 0)>
#map1 = affine_map<(d0, d1) -> (0, 0)>
module attributes {stable_mosaic.version = 14 : i64} {
  func.func @deg_kernel(%arg0: i32, %arg1: i32, %arg2: memref<32x79x128xi32, #tpu.memory_space<hbm>>, %arg3: memref<2x10240xf32, #tpu.memory_space<hbm>>, %arg4: memref<79x128xi32, #tpu.memory_space<vmem>>, %arg5: memref<128xf32, #tpu.memory_space<vmem>>, %arg6: memref<640xf32, #tpu.memory_space<vmem>>, %arg7: memref<10240xf32, #tpu.memory_space<vmem_shared>>) attributes {dimension_semantics = [#tpu.dimension_semantics<core_parallel>, #tpu.dimension_semantics<subcore_parallel>], iteration_bounds = array<i64: 2, 16>, scalar_prefetch = 0 : i64, scratch_operands = 4 : i64, tpu.core_type = #tpu.core_type<sc_vector_subcore>, window_params = [{transform_indices = #map}, {transform_indices = #map1}]} {
    %mul3A = arith.constant 16 : i32
    %mul3A_0 = arith.muli %arg0, %mul3A : i32
    %add3A = arith.addi %mul3A_0, %arg1 : i32
    %scan3A = arith.constant 0 : i32
    %scan3A_1 = arith.constant 0 : i32
    %scan3A_2 = arith.constant 40 : i32
    %scan3A_3 = arith.addi %scan3A_1, %scan3A_2 : i32
    %scan3A_4 = arith.constant 1 : i32
    scf.for %scan3A_63 = %scan3A_1 to %scan3A_3 step %scan3A_4  : i32 {
      %broadcast_in_dim3A_64 = arith.constant 0.000000e+00 : f32
      %broadcast_in_dim3A_65 = vector.broadcast %broadcast_in_dim3A_64 : f32 to vector<16xf32>
      %mul3A_66 = arith.constant 16 : i32
      %mul3A_67 = arith.muli %scan3A_63, %mul3A_66 : i32
      %swap3A_68 = arith.index_cast %mul3A_67 : i32 to index
      %swap3A_69 = tpu.vector_load %arg6[%swap3A_68] {strides = array<i32>} : memref<640xf32, #tpu.memory_space<vmem>>, vector<16xf32>,
      %swap3A_70 = vector.shape_cast %swap3A_69 : vector<16xf32> to vector<16xf32>
      %swap3A_71 = vector.shape_cast %broadcast_in_dim3A_65 : vector<16xf32> to vector<16xf32>
      tpu.vector_store %arg6[%swap3A_68], %swap3A_71 {strides = array<i32>} : memref<640xf32, #tpu.memory_space<vmem>>, vector<16xf32>,
    }
    %scan3A_5 = arith.constant 40 : i32
    %broadcast_in_dim3A = arith.constant 1.000000e+00 : f32
    %broadcast_in_dim3A_6 = vector.broadcast %broadcast_in_dim3A : f32 to vector<16xf32>
    %swap3A = arith.constant 0 : index
    %swap3A_7 = tpu.vector_load %arg5[%swap3A] {strides = array<i32>} : memref<128xf32, #tpu.memory_space<vmem>>, vector<16xf32>,
    %swap3A_8 = vector.shape_cast %swap3A_7 : vector<16xf32> to vector<16xf32>
    %swap3A_9 = vector.shape_cast %broadcast_in_dim3A_6 : vector<16xf32> to vector<16xf32>
    tpu.vector_store %arg5[%swap3A], %swap3A_9 {strides = array<i32>} : memref<128xf32, #tpu.memory_space<vmem>>, vector<16xf32>,
    %broadcast_in_dim3A_10 = arith.constant 1.000000e+00 : f32
    %broadcast_in_dim3A_11 = vector.broadcast %broadcast_in_dim3A_10 : f32 to vector<16xf32>
    %swap3A_12 = arith.constant 16 : index
    %swap3A_13 = tpu.vector_load %arg5[%swap3A_12] {strides = array<i32>} : memref<128xf32, #tpu.memory_space<vmem>>, vector<16xf32>,
    %swap3A_14 = vector.shape_cast %swap3A_13 : vector<16xf32> to vector<16xf32>
    %swap3A_15 = vector.shape_cast %broadcast_in_dim3A_11 : vector<16xf32> to vector<16xf32>
    tpu.vector_store %arg5[%swap3A_12], %swap3A_15 {strides = array<i32>} : memref<128xf32, #tpu.memory_space<vmem>>, vector<16xf32>,
    %broadcast_in_dim3A_16 = arith.constant 1.000000e+00 : f32
    %broadcast_in_dim3A_17 = vector.broadcast %broadcast_in_dim3A_16 : f32 to vector<16xf32>
    %swap3A_18 = arith.constant 32 : index
    %swap3A_19 = tpu.vector_load %arg5[%swap3A_18] {strides = array<i32>} : memref<128xf32, #tpu.memory_space<vmem>>, vector<16xf32>,
    %swap3A_20 = vector.shape_cast %swap3A_19 : vector<16xf32> to vector<16xf32>
    %swap3A_21 = vector.shape_cast %broadcast_in_dim3A_17 : vector<16xf32> to vector<16xf32>
    tpu.vector_store %arg5[%swap3A_18], %swap3A_21 {strides = array<i32>} : memref<128xf32, #tpu.memory_space<vmem>>, vector<16xf32>,
    %broadcast_in_dim3A_22 = arith.constant 1.000000e+00 : f32
    %broadcast_in_dim3A_23 = vector.broadcast %broadcast_in_dim3A_22 : f32 to vector<16xf32>
    %swap3A_24 = arith.constant 48 : index
    %swap3A_25 = tpu.vector_load %arg5[%swap3A_24] {strides = array<i32>} : memref<128xf32, #tpu.memory_space<vmem>>, vector<16xf32>,
    %swap3A_26 = vector.shape_cast %swap3A_25 : vector<16xf32> to vector<16xf32>
    %swap3A_27 = vector.shape_cast %broadcast_in_dim3A_23 : vector<16xf32> to vector<16xf32>
    tpu.vector_store %arg5[%swap3A_24], %swap3A_27 {strides = array<i32>} : memref<128xf32, #tpu.memory_space<vmem>>, vector<16xf32>,
    %broadcast_in_dim3A_28 = arith.constant 1.000000e+00 : f32
    %broadcast_in_dim3A_29 = vector.broadcast %broadcast_in_dim3A_28 : f32 to vector<16xf32>
    %swap3A_30 = arith.constant 64 : index
    %swap3A_31 = tpu.vector_load %arg5[%swap3A_30] {strides = array<i32>} : memref<128xf32, #tpu.memory_space<vmem>>, vector<16xf32>,
    %swap3A_32 = vector.shape_cast %swap3A_31 : vector<16xf32> to vector<16xf32>
    %swap3A_33 = vector.shape_cast %broadcast_in_dim3A_29 : vector<16xf32> to vector<16xf32>
    tpu.vector_store %arg5[%swap3A_30], %swap3A_33 {strides = array<i32>} : memref<128xf32, #tpu.memory_space<vmem>>, vector<16xf32>,
    %broadcast_in_dim3A_34 = arith.constant 1.000000e+00 : f32
    %broadcast_in_dim3A_35 = vector.broadcast %broadcast_in_dim3A_34 : f32 to vector<16xf32>
    %swap3A_36 = arith.constant 80 : index
    %swap3A_37 = tpu.vector_load %arg5[%swap3A_36] {strides = array<i32>} : memref<128xf32, #tpu.memory_space<vmem>>, vector<16xf32>,
    %swap3A_38 = vector.shape_cast %swap3A_37 : vector<16xf32> to vector<16xf32>
    %swap3A_39 = vector.shape_cast %broadcast_in_dim3A_35 : vector<16xf32> to vector<16xf32>
    tpu.vector_store %arg5[%swap3A_36], %swap3A_39 {strides = array<i32>} : memref<128xf32, #tpu.memory_space<vmem>>, vector<16xf32>,
    %broadcast_in_dim3A_40 = arith.constant 1.000000e+00 : f32
    %broadcast_in_dim3A_41 = vector.broadcast %broadcast_in_dim3A_40 : f32 to vector<16xf32>
    %swap3A_42 = arith.constant 96 : index
    %swap3A_43 = tpu.vector_load %arg5[%swap3A_42] {strides = array<i32>} : memref<128xf32, #tpu.memory_space<vmem>>, vector<16xf32>,
    %swap3A_44 = vector.shape_cast %swap3A_43 : vector<16xf32> to vector<16xf32>
    %swap3A_45 = vector.shape_cast %broadcast_in_dim3A_41 : vector<16xf32> to vector<16xf32>
    tpu.vector_store %arg5[%swap3A_42], %swap3A_45 {strides = array<i32>} : memref<128xf32, #tpu.memory_space<vmem>>, vector<16xf32>,
    %broadcast_in_dim3A_46 = arith.constant 1.000000e+00 : f32
    %broadcast_in_dim3A_47 = vector.broadcast %broadcast_in_dim3A_46 : f32 to vector<16xf32>
    %swap3A_48 = arith.constant 112 : index
    %swap3A_49 = tpu.vector_load %arg5[%swap3A_48] {strides = array<i32>} : memref<128xf32, #tpu.memory_space<vmem>>, vector<16xf32>,
    %swap3A_50 = vector.shape_cast %swap3A_49 : vector<16xf32> to vector<16xf32>
    %swap3A_51 = vector.shape_cast %broadcast_in_dim3A_47 : vector<16xf32> to vector<16xf32>
    tpu.vector_store %arg5[%swap3A_48], %swap3A_51 {strides = array<i32>} : memref<128xf32, #tpu.memory_space<vmem>>, vector<16xf32>,
    %mul3A_52 = arith.constant 640 : i32
    %mul3A_53 = arith.muli %arg1, %mul3A_52 : i32
    "tpu.region"() ({
      %run_scoped3A = tpu.sem_alloc : memref<!tpu.dma_semaphore, #tpu.memory_space<semaphore_mem>>
      %dma_start3A = tpu.memref_slice %arg7[%mul3A_53] : memref<10240xf32, #tpu.memory_space<vmem_shared>> -> memref<640xf32, #tpu.memory_space<vmem_shared>>
      %dma_start3A_63 = tpu.memref_slice %arg7[%mul3A_53] : memref<10240xf32, #tpu.memory_space<vmem_shared>> -> memref<640xf32, #tpu.memory_space<vmem_shared>>
      tpu.enqueue_dma source(%arg6 : memref<640xf32, #tpu.memory_space<vmem>>) target(%dma_start3A_63 : memref<640xf32, #tpu.memory_space<vmem_shared>>) target_semaphore(%run_scoped3A : memref<!tpu.dma_semaphore, #tpu.memory_space<semaphore_mem>>)
      %dma_wait3A = tpu.memref_slice %arg7[%mul3A_53] : memref<10240xf32, #tpu.memory_space<vmem_shared>> -> memref<640xf32, #tpu.memory_space<vmem_shared>>
      %dma_wait3A_64 = tpu.memref_slice %arg7[%mul3A_53] : memref<10240xf32, #tpu.memory_space<vmem_shared>> -> memref<640xf32, #tpu.memory_space<vmem_shared>>
      tpu.wait_dma2 semaphore(%run_scoped3A : memref<!tpu.dma_semaphore, #tpu.memory_space<semaphore_mem>>) src(%arg6 : memref<640xf32, #tpu.memory_space<vmem>>) dst(%dma_wait3A_64 : memref<640xf32, #tpu.memory_space<vmem_shared>>)
      tpu.yield
    }) : () -> ()
    "tpu.region"() ({
      %run_scoped3A = tpu.sem_alloc : memref<!tpu.dma_semaphore, #tpu.memory_space<semaphore_mem>>
      %dma_start3A = arith.constant 0 : i32
      %dma_start3A_63 = arith.constant 0 : i32
      %dma_start3A_64 = tpu.memref_slice %arg2[%add3A, %dma_start3A, %dma_start3A_63] : memref<32x79x128xi32, #tpu.memory_space<hbm>> -> memref<1x79x128xi32, #tpu.memory_space<hbm>>
      %dma_start3A_65 = tpu.memref_squeeze %dma_start3A_64 : memref<1x79x128xi32, #tpu.memory_space<hbm>> -> memref<79x128xi32, #tpu.memory_space<hbm>>
      %dma_start3A_66 = arith.constant 0 : i32
      %dma_start3A_67 = arith.constant 0 : i32
      %dma_start3A_68 = tpu.memref_slice %arg2[%add3A, %dma_start3A_66, %dma_start3A_67] : memref<32x79x128xi32, #tpu.memory_space<hbm>> -> memref<1x79x128xi32, #tpu.memory_space<hbm>>
      %dma_start3A_69 = tpu.memref_squeeze %dma_start3A_68 : memref<1x79x128xi32, #tpu.memory_space<hbm>> -> memref<79x128xi32, #tpu.memory_space<hbm>>
      tpu.enqueue_dma source(%dma_start3A_69 : memref<79x128xi32, #tpu.memory_space<hbm>>) target(%arg4 : memref<79x128xi32, #tpu.memory_space<vmem>>) target_semaphore(%run_scoped3A : memref<!tpu.dma_semaphore, #tpu.memory_space<semaphore_mem>>)
      %dma_wait3A = arith.constant 0 : i32
      %dma_wait3A_70 = arith.constant 0 : i32
      %dma_wait3A_71 = tpu.memref_slice %arg2[%add3A, %dma_wait3A, %dma_wait3A_70] : memref<32x79x128xi32, #tpu.memory_space<hbm>> -> memref<1x79x128xi32, #tpu.memory_space<hbm>>
      %dma_wait3A_72 = tpu.memref_squeeze %dma_wait3A_71 : memref<1x79x128xi32, #tpu.memory_space<hbm>> -> memref<79x128xi32, #tpu.memory_space<hbm>>
      %dma_wait3A_73 = arith.constant 0 : i32
      %dma_wait3A_74 = arith.constant 0 : i32
      %dma_wait3A_75 = tpu.memref_slice %arg2[%add3A, %dma_wait3A_73, %dma_wait3A_74] : memref<32x79x128xi32, #tpu.memory_space<hbm>> -> memref<1x79x128xi32, #tpu.memory_space<hbm>>
      %dma_wait3A_76 = tpu.memref_squeeze %dma_wait3A_75 : memref<1x79x128xi32, #tpu.memory_space<hbm>> -> memref<79x128xi32, #tpu.memory_space<hbm>>
      tpu.wait_dma2 semaphore(%run_scoped3A : memref<!tpu.dma_semaphore, #tpu.memory_space<semaphore_mem>>) src(%dma_wait3A_76 : memref<79x128xi32, #tpu.memory_space<hbm>>) dst(%arg4 : memref<79x128xi32, #tpu.memory_space<vmem>>)
      tpu.yield
    }) : () -> ()
    %barrier3A = arith.constant 0 : index
    tpu.barrier barrier_id(%barrier3A)
    %scan3A_54 = arith.constant 0 : i32
    %scan3A_55 = arith.constant 0 : i32
    %scan3A_56 = arith.constant 79 : i32
    %scan3A_57 = arith.addi %scan3A_55, %scan3A_56 : i32
    %scan3A_58 = arith.constant 1 : i32
    scf.for %scan3A_63 = %scan3A_55 to %scan3A_57 step %scan3A_58  : i32 {
      "tpu.region"() ({
        %run_scoped3A = tpu.sem_alloc : memref<!tpu.dma_semaphore, #tpu.memory_space<semaphore_mem>>
        %dma_start3A = arith.constant 0 : i32
        %dma_start3A_64 = tpu.memref_slice %arg4[%scan3A_63, %dma_start3A] : memref<79x128xi32, #tpu.memory_space<vmem>> -> memref<1x128xi32, #tpu.memory_space<vmem>>
        %dma_start3A_65 = tpu.memref_squeeze %dma_start3A_64 : memref<1x128xi32, #tpu.memory_space<vmem>> -> memref<128xi32, #tpu.memory_space<vmem>>
        %dma_start3A_66 = arith.constant 0 : i32
        %dma_start3A_67 = tpu.memref_slice %arg7[%dma_start3A_66] : memref<10240xf32, #tpu.memory_space<vmem_shared>> -> memref<10240xf32, #tpu.memory_space<vmem_shared>>
        tpu.enqueue_indirect_dma source(%arg5 : memref<128xf32, #tpu.memory_space<vmem>>) target(%dma_start3A_67 : memref<10240xf32, #tpu.memory_space<vmem_shared>>) offsets(%dma_start3A_65 : memref<128xi32, #tpu.memory_space<vmem>>) semaphore(%run_scoped3A : memref<!tpu.dma_semaphore, #tpu.memory_space<semaphore_mem>>) {add = true}
        %dma_wait3A = arith.constant 0 : i32
        %dma_wait3A_68 = tpu.memref_slice %arg4[%scan3A_63, %dma_wait3A] : memref<79x128xi32, #tpu.memory_space<vmem>> -> memref<1x128xi32, #tpu.memory_space<vmem>>
        %dma_wait3A_69 = tpu.memref_squeeze %dma_wait3A_68 : memref<1x128xi32, #tpu.memory_space<vmem>> -> memref<128xi32, #tpu.memory_space<vmem>>
        %dma_wait3A_70 = arith.constant 0 : i32
        %dma_wait3A_71 = tpu.memref_slice %arg7[%dma_wait3A_70] : memref<10240xf32, #tpu.memory_space<vmem_shared>> -> memref<10240xf32, #tpu.memory_space<vmem_shared>>
        tpu.wait_indirect_dma semaphore(%run_scoped3A : memref<!tpu.dma_semaphore, #tpu.memory_space<semaphore_mem>>) src(%arg5 : memref<128xf32, #tpu.memory_space<vmem>>) dst(%dma_wait3A_71 : memref<10240xf32, #tpu.memory_space<vmem_shared>>)
        tpu.yield
      }) : () -> ()
    }
    %scan3A_59 = arith.constant 79 : i32
    %barrier3A_60 = arith.constant 0 : index
    tpu.barrier barrier_id(%barrier3A_60)
    %eq3A = arith.constant 0 : i32
    %eq3A_61 = arith.cmpi eq, %arg1, %eq3A : i32
    %convert_element_type3A = arith.extui %eq3A_61 : i1 to i32
    %cond3A = arith.constant 0 : i32
    %cond3A_62 = arith.cmpi ne, %convert_element_type3A, %cond3A : i32
    scf.if %cond3A_62 {
      "tpu.region"() ({
        %run_scoped3A = tpu.sem_alloc : memref<!tpu.dma_semaphore, #tpu.memory_space<semaphore_mem>>
        %dma_start3A = arith.constant 0 : i32
        %dma_start3A_63 = tpu.memref_slice %arg3[%arg0, %dma_start3A] : memref<2x10240xf32, #tpu.memory_space<hbm>> -> memref<1x10240xf32, #tpu.memory_space<hbm>>
        %dma_start3A_64 = tpu.memref_squeeze %dma_start3A_63 : memref<1x10240xf32, #tpu.memory_space<hbm>> -> memref<10240xf32, #tpu.memory_space<hbm>>
        tpu.enqueue_dma source(%arg7 : memref<10240xf32, #tpu.memory_space<vmem_shared>>) target(%dma_start3A_64 : memref<10240xf32, #tpu.memory_space<hbm>>) target_semaphore(%run_scoped3A : memref<!tpu.dma_semaphore, #tpu.memory_space<semaphore_mem>>)
        %dma_wait3A = arith.constant 0 : i32
        %dma_wait3A_65 = tpu.memref_slice %arg3[%arg0, %dma_wait3A] : memref<2x10240xf32, #tpu.memory_space<hbm>> -> memref<1x10240xf32, #tpu.memory_space<hbm>>
        %dma_wait3A_66 = tpu.memref_squeeze %dma_wait3A_65 : memref<1x10240xf32, #tpu.memory_space<hbm>> -> memref<10240xf32, #tpu.memory_space<hbm>>
        tpu.wait_dma2 semaphore(%run_scoped3A : memref<!tpu.dma_semaphore, #tpu.memory_space<semaphore_mem>>) src(%arg7 : memref<10240xf32, #tpu.memory_space<vmem_shared>>) dst(%dma_wait3A_66 : memref<10240xf32, #tpu.memory_space<hbm>>)
        tpu.yield
      }) : () -> ()
    } else {
    }
    return
  }
}

#map = affine_map<(d0, d1) -> (0, 0)>
#map1 = affine_map<(d0, d1) -> (0, 0, 0)>
module attributes {stable_mosaic.version = 14 : i64} {
  func.func @agg_kernel(%arg0: i32, %arg1: i32, %arg2: memref<10000x16xf32, #tpu.memory_space<hbm>>, %arg3: memref<32x79x128xi32, #tpu.memory_space<hbm>>, %arg4: memref<32x79x128xi32, #tpu.memory_space<hbm>>, %arg5: memref<2x10240x16xf32, #tpu.memory_space<hbm>>, %arg6: memref<79x128xi32, #tpu.memory_space<vmem>>, %arg7: memref<79x128xi32, #tpu.memory_space<vmem>>, %arg8: memref<128x16xf32, #tpu.memory_space<vmem>>, %arg9: memref<640x16xf32, #tpu.memory_space<vmem>>, %arg10: memref<10240x16xf32, #tpu.memory_space<vmem_shared>>, %arg11: memref<!tpu.dma_semaphore, #tpu.memory_space<semaphore_mem>>) attributes {dimension_semantics = [#tpu.dimension_semantics<core_parallel>, #tpu.dimension_semantics<subcore_parallel>], iteration_bounds = array<i64: 2, 16>, scalar_prefetch = 0 : i64, scratch_operands = 6 : i64, tpu.core_type = #tpu.core_type<sc_vector_subcore>, window_params = [{transform_indices = #map}, {transform_indices = #map1}, {transform_indices = #map1}, {transform_indices = #map1}]} {
    %mul3A = arith.constant 16 : i32
    %mul3A_0 = arith.muli %arg0, %mul3A : i32
    %add3A = arith.addi %mul3A_0, %arg1 : i32
    %scan3A = arith.constant 0 : i32
    %scan3A_1 = arith.constant 0 : i32
    %scan3A_2 = arith.constant 640 : i32
    %scan3A_3 = arith.addi %scan3A_1, %scan3A_2 : i32
    %scan3A_4 = arith.constant 1 : i32
    scf.for %scan3A_17 = %scan3A_1 to %scan3A_3 step %scan3A_4  : i32 {
      %broadcast_in_dim3A = arith.constant 0.000000e+00 : f32
      %broadcast_in_dim3A_18 = vector.broadcast %broadcast_in_dim3A : f32 to vector<16xf32>
      %swap3A = arith.index_cast %scan3A_17 : i32 to index
      %swap3A_19 = arith.constant 0 : index
      %swap3A_20 = tpu.vector_load %arg9[%swap3A, %swap3A_19] {strides = array<i32>} : memref<640x16xf32, #tpu.memory_space<vmem>>, vector<1x16xf32>,
      %swap3A_21 = vector.shape_cast %swap3A_20 : vector<1x16xf32> to vector<16xf32>
      %swap3A_22 = vector.shape_cast %broadcast_in_dim3A_18 : vector<16xf32> to vector<1x16xf32>
      tpu.vector_store %arg9[%swap3A, %swap3A_19], %swap3A_22 {strides = array<i32>} : memref<640x16xf32, #tpu.memory_space<vmem>>, vector<1x16xf32>,
    }
    %scan3A_5 = arith.constant 640 : i32
    %mul3A_6 = arith.constant 640 : i32
    %mul3A_7 = arith.muli %arg1, %mul3A_6 : i32
    "tpu.region"() ({
      %run_scoped3A = tpu.sem_alloc : memref<!tpu.dma_semaphore, #tpu.memory_space<semaphore_mem>>
      %dma_start3A = arith.constant 0 : i32
      %dma_start3A_17 = tpu.memref_slice %arg10[%mul3A_7, %dma_start3A] : memref<10240x16xf32, #tpu.memory_space<vmem_shared>> -> memref<640x16xf32, #tpu.memory_space<vmem_shared>>
      %dma_start3A_18 = arith.constant 0 : i32
      %dma_start3A_19 = tpu.memref_slice %arg10[%mul3A_7, %dma_start3A_18] : memref<10240x16xf32, #tpu.memory_space<vmem_shared>> -> memref<640x16xf32, #tpu.memory_space<vmem_shared>>
      tpu.enqueue_dma source(%arg9 : memref<640x16xf32, #tpu.memory_space<vmem>>) target(%dma_start3A_19 : memref<640x16xf32, #tpu.memory_space<vmem_shared>>) target_semaphore(%run_scoped3A : memref<!tpu.dma_semaphore, #tpu.memory_space<semaphore_mem>>)
      %dma_wait3A = arith.constant 0 : i32
      %dma_wait3A_20 = tpu.memref_slice %arg10[%mul3A_7, %dma_wait3A] : memref<10240x16xf32, #tpu.memory_space<vmem_shared>> -> memref<640x16xf32, #tpu.memory_space<vmem_shared>>
      %dma_wait3A_21 = arith.constant 0 : i32
      %dma_wait3A_22 = tpu.memref_slice %arg10[%mul3A_7, %dma_wait3A_21] : memref<10240x16xf32, #tpu.memory_space<vmem_shared>> -> memref<640x16xf32, #tpu.memory_space<vmem_shared>>
      tpu.wait_dma2 semaphore(%run_scoped3A : memref<!tpu.dma_semaphore, #tpu.memory_space<semaphore_mem>>) src(%arg9 : memref<640x16xf32, #tpu.memory_space<vmem>>) dst(%dma_wait3A_22 : memref<640x16xf32, #tpu.memory_space<vmem_shared>>)
      tpu.yield
    }) : () -> ()
    "tpu.region"() ({
      %run_scoped3A = tpu.sem_alloc : memref<!tpu.dma_semaphore, #tpu.memory_space<semaphore_mem>>
      %dma_start3A = arith.constant 0 : i32
      %dma_start3A_17 = arith.constant 0 : i32
      %dma_start3A_18 = tpu.memref_slice %arg3[%add3A, %dma_start3A, %dma_start3A_17] : memref<32x79x128xi32, #tpu.memory_space<hbm>> -> memref<1x79x128xi32, #tpu.memory_space<hbm>>
      %dma_start3A_19 = tpu.memref_squeeze %dma_start3A_18 : memref<1x79x128xi32, #tpu.memory_space<hbm>> -> memref<79x128xi32, #tpu.memory_space<hbm>>
      %dma_start3A_20 = arith.constant 0 : i32
      %dma_start3A_21 = arith.constant 0 : i32
      %dma_start3A_22 = tpu.memref_slice %arg3[%add3A, %dma_start3A_20, %dma_start3A_21] : memref<32x79x128xi32, #tpu.memory_space<hbm>> -> memref<1x79x128xi32, #tpu.memory_space<hbm>>
      %dma_start3A_23 = tpu.memref_squeeze %dma_start3A_22 : memref<1x79x128xi32, #tpu.memory_space<hbm>> -> memref<79x128xi32, #tpu.memory_space<hbm>>
      tpu.enqueue_dma source(%dma_start3A_23 : memref<79x128xi32, #tpu.memory_space<hbm>>) target(%arg6 : memref<79x128xi32, #tpu.memory_space<vmem>>) target_semaphore(%run_scoped3A : memref<!tpu.dma_semaphore, #tpu.memory_space<semaphore_mem>>)
      %dma_wait3A = arith.constant 0 : i32
      %dma_wait3A_24 = arith.constant 0 : i32
      %dma_wait3A_25 = tpu.memref_slice %arg3[%add3A, %dma_wait3A, %dma_wait3A_24] : memref<32x79x128xi32, #tpu.memory_space<hbm>> -> memref<1x79x128xi32, #tpu.memory_space<hbm>>
      %dma_wait3A_26 = tpu.memref_squeeze %dma_wait3A_25 : memref<1x79x128xi32, #tpu.memory_space<hbm>> -> memref<79x128xi32, #tpu.memory_space<hbm>>
      %dma_wait3A_27 = arith.constant 0 : i32
      %dma_wait3A_28 = arith.constant 0 : i32
      %dma_wait3A_29 = tpu.memref_slice %arg3[%add3A, %dma_wait3A_27, %dma_wait3A_28] : memref<32x79x128xi32, #tpu.memory_space<hbm>> -> memref<1x79x128xi32, #tpu.memory_space<hbm>>
      %dma_wait3A_30 = tpu.memref_squeeze %dma_wait3A_29 : memref<1x79x128xi32, #tpu.memory_space<hbm>> -> memref<79x128xi32, #tpu.memory_space<hbm>>
      tpu.wait_dma2 semaphore(%run_scoped3A : memref<!tpu.dma_semaphore, #tpu.memory_space<semaphore_mem>>) src(%dma_wait3A_30 : memref<79x128xi32, #tpu.memory_space<hbm>>) dst(%arg6 : memref<79x128xi32, #tpu.memory_space<vmem>>)
      tpu.yield
    }) : () -> ()
    "tpu.region"() ({
      %run_scoped3A = tpu.sem_alloc : memref<!tpu.dma_semaphore, #tpu.memory_space<semaphore_mem>>
      %dma_start3A = arith.constant 0 : i32
      %dma_start3A_17 = arith.constant 0 : i32
      %dma_start3A_18 = tpu.memref_slice %arg4[%add3A, %dma_start3A, %dma_start3A_17] : memref<32x79x128xi32, #tpu.memory_space<hbm>> -> memref<1x79x128xi32, #tpu.memory_space<hbm>>
      %dma_start3A_19 = tpu.memref_squeeze %dma_start3A_18 : memref<1x79x128xi32, #tpu.memory_space<hbm>> -> memref<79x128xi32, #tpu.memory_space<hbm>>
      %dma_start3A_20 = arith.constant 0 : i32
      %dma_start3A_21 = arith.constant 0 : i32
      %dma_start3A_22 = tpu.memref_slice %arg4[%add3A, %dma_start3A_20, %dma_start3A_21] : memref<32x79x128xi32, #tpu.memory_space<hbm>> -> memref<1x79x128xi32, #tpu.memory_space<hbm>>
      %dma_start3A_23 = tpu.memref_squeeze %dma_start3A_22 : memref<1x79x128xi32, #tpu.memory_space<hbm>> -> memref<79x128xi32, #tpu.memory_space<hbm>>
      tpu.enqueue_dma source(%dma_start3A_23 : memref<79x128xi32, #tpu.memory_space<hbm>>) target(%arg7 : memref<79x128xi32, #tpu.memory_space<vmem>>) target_semaphore(%run_scoped3A : memref<!tpu.dma_semaphore, #tpu.memory_space<semaphore_mem>>)
      %dma_wait3A = arith.constant 0 : i32
      %dma_wait3A_24 = arith.constant 0 : i32
      %dma_wait3A_25 = tpu.memref_slice %arg4[%add3A, %dma_wait3A, %dma_wait3A_24] : memref<32x79x128xi32, #tpu.memory_space<hbm>> -> memref<1x79x128xi32, #tpu.memory_space<hbm>>
      %dma_wait3A_26 = tpu.memref_squeeze %dma_wait3A_25 : memref<1x79x128xi32, #tpu.memory_space<hbm>> -> memref<79x128xi32, #tpu.memory_space<hbm>>
      %dma_wait3A_27 = arith.constant 0 : i32
      %dma_wait3A_28 = arith.constant 0 : i32
      %dma_wait3A_29 = tpu.memref_slice %arg4[%add3A, %dma_wait3A_27, %dma_wait3A_28] : memref<32x79x128xi32, #tpu.memory_space<hbm>> -> memref<1x79x128xi32, #tpu.memory_space<hbm>>
      %dma_wait3A_30 = tpu.memref_squeeze %dma_wait3A_29 : memref<1x79x128xi32, #tpu.memory_space<hbm>> -> memref<79x128xi32, #tpu.memory_space<hbm>>
      tpu.wait_dma2 semaphore(%run_scoped3A : memref<!tpu.dma_semaphore, #tpu.memory_space<semaphore_mem>>) src(%dma_wait3A_30 : memref<79x128xi32, #tpu.memory_space<hbm>>) dst(%arg7 : memref<79x128xi32, #tpu.memory_space<vmem>>)
      tpu.yield
    }) : () -> ()
    %barrier3A = arith.constant 0 : index
    tpu.barrier barrier_id(%barrier3A)
    %scan3A_8 = arith.constant 0 : i32
    %scan3A_9 = arith.constant 0 : i32
    %scan3A_10 = arith.constant 79 : i32
    %scan3A_11 = arith.addi %scan3A_9, %scan3A_10 : i32
    %scan3A_12 = arith.constant 1 : i32
    scf.for %scan3A_17 = %scan3A_9 to %scan3A_11 step %scan3A_12  : i32 {
      %dma_start3A = arith.constant 0 : i32
      %dma_start3A_18 = tpu.memref_slice %arg6[%scan3A_17, %dma_start3A] : memref<79x128xi32, #tpu.memory_space<vmem>> -> memref<1x128xi32, #tpu.memory_space<vmem>>
      %dma_start3A_19 = tpu.memref_squeeze %dma_start3A_18 : memref<1x128xi32, #tpu.memory_space<vmem>> -> memref<128xi32, #tpu.memory_space<vmem>>
      %dma_start3A_20 = arith.constant 0 : i32
      %dma_start3A_21 = arith.constant 0 : i32
      %dma_start3A_22 = tpu.memref_slice %arg2[%dma_start3A_20, %dma_start3A_21] : memref<10000x16xf32, #tpu.memory_space<hbm>> -> memref<10000x16xf32, #tpu.memory_space<hbm>>
      tpu.enqueue_indirect_dma source(%dma_start3A_22 : memref<10000x16xf32, #tpu.memory_space<hbm>>) target(%arg8 : memref<128x16xf32, #tpu.memory_space<vmem>>) offsets(%dma_start3A_19 : memref<128xi32, #tpu.memory_space<vmem>>) semaphore(%arg11 : memref<!tpu.dma_semaphore, #tpu.memory_space<semaphore_mem>>)
      %dma_wait3A = arith.constant 0 : i32
      %dma_wait3A_23 = tpu.memref_slice %arg6[%scan3A_17, %dma_wait3A] : memref<79x128xi32, #tpu.memory_space<vmem>> -> memref<1x128xi32, #tpu.memory_space<vmem>>
      %dma_wait3A_24 = tpu.memref_squeeze %dma_wait3A_23 : memref<1x128xi32, #tpu.memory_space<vmem>> -> memref<128xi32, #tpu.memory_space<vmem>>
      %dma_wait3A_25 = arith.constant 0 : i32
      %dma_wait3A_26 = arith.constant 0 : i32
      %dma_wait3A_27 = tpu.memref_slice %arg2[%dma_wait3A_25, %dma_wait3A_26] : memref<10000x16xf32, #tpu.memory_space<hbm>> -> memref<10000x16xf32, #tpu.memory_space<hbm>>
      tpu.wait_indirect_dma semaphore(%arg11 : memref<!tpu.dma_semaphore, #tpu.memory_space<semaphore_mem>>) src(%dma_wait3A_27 : memref<10000x16xf32, #tpu.memory_space<hbm>>) dst(%arg8 : memref<128x16xf32, #tpu.memory_space<vmem>>)
      "tpu.region"() ({
        %run_scoped3A = tpu.sem_alloc : memref<!tpu.dma_semaphore, #tpu.memory_space<semaphore_mem>>
        %dma_start3A_28 = arith.constant 0 : i32
        %dma_start3A_29 = tpu.memref_slice %arg7[%scan3A_17, %dma_start3A_28] : memref<79x128xi32, #tpu.memory_space<vmem>> -> memref<1x128xi32, #tpu.memory_space<vmem>>
        %dma_start3A_30 = tpu.memref_squeeze %dma_start3A_29 : memref<1x128xi32, #tpu.memory_space<vmem>> -> memref<128xi32, #tpu.memory_space<vmem>>
        %dma_start3A_31 = arith.constant 0 : i32
        %dma_start3A_32 = arith.constant 0 : i32
        %dma_start3A_33 = tpu.memref_slice %arg10[%dma_start3A_31, %dma_start3A_32] : memref<10240x16xf32, #tpu.memory_space<vmem_shared>> -> memref<10240x16xf32, #tpu.memory_space<vmem_shared>>
        tpu.enqueue_indirect_dma source(%arg8 : memref<128x16xf32, #tpu.memory_space<vmem>>) target(%dma_start3A_33 : memref<10240x16xf32, #tpu.memory_space<vmem_shared>>) offsets(%dma_start3A_30 : memref<128xi32, #tpu.memory_space<vmem>>) semaphore(%run_scoped3A : memref<!tpu.dma_semaphore, #tpu.memory_space<semaphore_mem>>) {add = true}
        %dma_wait3A_34 = arith.constant 0 : i32
        %dma_wait3A_35 = tpu.memref_slice %arg7[%scan3A_17, %dma_wait3A_34] : memref<79x128xi32, #tpu.memory_space<vmem>> -> memref<1x128xi32, #tpu.memory_space<vmem>>
        %dma_wait3A_36 = tpu.memref_squeeze %dma_wait3A_35 : memref<1x128xi32, #tpu.memory_space<vmem>> -> memref<128xi32, #tpu.memory_space<vmem>>
        %dma_wait3A_37 = arith.constant 0 : i32
        %dma_wait3A_38 = arith.constant 0 : i32
        %dma_wait3A_39 = tpu.memref_slice %arg10[%dma_wait3A_37, %dma_wait3A_38] : memref<10240x16xf32, #tpu.memory_space<vmem_shared>> -> memref<10240x16xf32, #tpu.memory_space<vmem_shared>>
        tpu.wait_indirect_dma semaphore(%run_scoped3A : memref<!tpu.dma_semaphore, #tpu.memory_space<semaphore_mem>>) src(%arg8 : memref<128x16xf32, #tpu.memory_space<vmem>>) dst(%dma_wait3A_39 : memref<10240x16xf32, #tpu.memory_space<vmem_shared>>)
        tpu.yield
      }) : () -> ()
    }
    %scan3A_13 = arith.constant 79 : i32
    %barrier3A_14 = arith.constant 0 : index
    tpu.barrier barrier_id(%barrier3A_14)
    %eq3A = arith.constant 0 : i32
    %eq3A_15 = arith.cmpi eq, %arg1, %eq3A : i32
    %convert_element_type3A = arith.extui %eq3A_15 : i1 to i32
    %cond3A = arith.constant 0 : i32
    %cond3A_16 = arith.cmpi ne, %convert_element_type3A, %cond3A : i32
    scf.if %cond3A_16 {
      "tpu.region"() ({
        %run_scoped3A = tpu.sem_alloc : memref<!tpu.dma_semaphore, #tpu.memory_space<semaphore_mem>>
        %dma_start3A = arith.constant 0 : i32
        %dma_start3A_17 = arith.constant 0 : i32
        %dma_start3A_18 = tpu.memref_slice %arg5[%arg0, %dma_start3A, %dma_start3A_17] : memref<2x10240x16xf32, #tpu.memory_space<hbm>> -> memref<1x10240x16xf32, #tpu.memory_space<hbm>>
        %dma_start3A_19 = tpu.memref_squeeze %dma_start3A_18 : memref<1x10240x16xf32, #tpu.memory_space<hbm>> -> memref<10240x16xf32, #tpu.memory_space<hbm>>
        tpu.enqueue_dma source(%arg10 : memref<10240x16xf32, #tpu.memory_space<vmem_shared>>) target(%dma_start3A_19 : memref<10240x16xf32, #tpu.memory_space<hbm>>) target_semaphore(%run_scoped3A : memref<!tpu.dma_semaphore, #tpu.memory_space<semaphore_mem>>)
        %dma_wait3A = arith.constant 0 : i32
        %dma_wait3A_20 = arith.constant 0 : i32
        %dma_wait3A_21 = tpu.memref_slice %arg5[%arg0, %dma_wait3A, %dma_wait3A_20] : memref<2x10240x16xf32, #tpu.memory_space<hbm>> -> memref<1x10240x16xf32, #tpu.memory_space<hbm>>
        %dma_wait3A_22 = tpu.memref_squeeze %dma_wait3A_21 : memref<1x10240x16xf32, #tpu.memory_space<hbm>> -> memref<10240x16xf32, #tpu.memory_space<hbm>>
        tpu.wait_dma2 semaphore(%run_scoped3A : memref<!tpu.dma_semaphore, #tpu.memory_space<semaphore_mem>>) src(%arg10 : memref<10240x16xf32, #tpu.memory_space<vmem_shared>>) dst(%dma_wait3A_22 : memref<10240x16xf32, #tpu.memory_space<hbm>>)
        tpu.yield
      }) : () -> ()
    } else {
    }
    return
  }
}

#map = affine_map<(d0, d1) -> (0, 0)>
#map1 = affine_map<(d0, d1) -> (0, 0, 0)>
module attributes {stable_mosaic.version = 14 : i64} {
  func.func @agg_kernel(%arg0: i32, %arg1: i32, %arg2: memref<10000x16xf32, #tpu.memory_space<hbm>>, %arg3: memref<32x79x128xi32, #tpu.memory_space<hbm>>, %arg4: memref<32x79x128xi32, #tpu.memory_space<hbm>>, %arg5: memref<2x10240x16xf32, #tpu.memory_space<hbm>>, %arg6: memref<79x128xi32, #tpu.memory_space<vmem>>, %arg7: memref<79x128xi32, #tpu.memory_space<vmem>>, %arg8: memref<128x16xf32, #tpu.memory_space<vmem>>, %arg9: memref<640x16xf32, #tpu.memory_space<vmem>>, %arg10: memref<10240x16xf32, #tpu.memory_space<vmem_shared>>, %arg11: memref<!tpu.dma_semaphore, #tpu.memory_space<semaphore_mem>>) attributes {dimension_semantics = [#tpu.dimension_semantics<core_parallel>, #tpu.dimension_semantics<subcore_parallel>], iteration_bounds = array<i64: 2, 16>, scalar_prefetch = 0 : i64, scratch_operands = 6 : i64, tpu.core_type = #tpu.core_type<sc_vector_subcore>, window_params = [{transform_indices = #map}, {transform_indices = #map1}, {transform_indices = #map1}, {transform_indices = #map1}]} {
    %mul3A = arith.constant 16 : i32
    %mul3A_0 = arith.muli %arg0, %mul3A : i32
    %add3A = arith.addi %mul3A_0, %arg1 : i32
    %scan3A = arith.constant 0 : i32
    %scan3A_1 = arith.constant 0 : i32
    %scan3A_2 = arith.constant 640 : i32
    %scan3A_3 = arith.addi %scan3A_1, %scan3A_2 : i32
    %scan3A_4 = arith.constant 1 : i32
    scf.for %scan3A_17 = %scan3A_1 to %scan3A_3 step %scan3A_4  : i32 {
      %broadcast_in_dim3A = arith.constant 0.000000e+00 : f32
      %broadcast_in_dim3A_18 = vector.broadcast %broadcast_in_dim3A : f32 to vector<16xf32>
      %swap3A = arith.index_cast %scan3A_17 : i32 to index
      %swap3A_19 = arith.constant 0 : index
      %swap3A_20 = tpu.vector_load %arg9[%swap3A, %swap3A_19] {strides = array<i32>} : memref<640x16xf32, #tpu.memory_space<vmem>>, vector<1x16xf32>,
      %swap3A_21 = vector.shape_cast %swap3A_20 : vector<1x16xf32> to vector<16xf32>
      %swap3A_22 = vector.shape_cast %broadcast_in_dim3A_18 : vector<16xf32> to vector<1x16xf32>
      tpu.vector_store %arg9[%swap3A, %swap3A_19], %swap3A_22 {strides = array<i32>} : memref<640x16xf32, #tpu.memory_space<vmem>>, vector<1x16xf32>,
    }
    %scan3A_5 = arith.constant 640 : i32
    %mul3A_6 = arith.constant 640 : i32
    %mul3A_7 = arith.muli %arg1, %mul3A_6 : i32
    "tpu.region"() ({
      %run_scoped3A = tpu.sem_alloc : memref<!tpu.dma_semaphore, #tpu.memory_space<semaphore_mem>>
      %dma_start3A = arith.constant 0 : i32
      %dma_start3A_17 = tpu.memref_slice %arg10[%mul3A_7, %dma_start3A] : memref<10240x16xf32, #tpu.memory_space<vmem_shared>> -> memref<640x16xf32, #tpu.memory_space<vmem_shared>>
      %dma_start3A_18 = arith.constant 0 : i32
      %dma_start3A_19 = tpu.memref_slice %arg10[%mul3A_7, %dma_start3A_18] : memref<10240x16xf32, #tpu.memory_space<vmem_shared>> -> memref<640x16xf32, #tpu.memory_space<vmem_shared>>
      tpu.enqueue_dma source(%arg9 : memref<640x16xf32, #tpu.memory_space<vmem>>) target(%dma_start3A_19 : memref<640x16xf32, #tpu.memory_space<vmem_shared>>) target_semaphore(%run_scoped3A : memref<!tpu.dma_semaphore, #tpu.memory_space<semaphore_mem>>)
      %dma_wait3A = arith.constant 0 : i32
      %dma_wait3A_20 = tpu.memref_slice %arg10[%mul3A_7, %dma_wait3A] : memref<10240x16xf32, #tpu.memory_space<vmem_shared>> -> memref<640x16xf32, #tpu.memory_space<vmem_shared>>
      %dma_wait3A_21 = arith.constant 0 : i32
      %dma_wait3A_22 = tpu.memref_slice %arg10[%mul3A_7, %dma_wait3A_21] : memref<10240x16xf32, #tpu.memory_space<vmem_shared>> -> memref<640x16xf32, #tpu.memory_space<vmem_shared>>
      tpu.wait_dma2 semaphore(%run_scoped3A : memref<!tpu.dma_semaphore, #tpu.memory_space<semaphore_mem>>) src(%arg9 : memref<640x16xf32, #tpu.memory_space<vmem>>) dst(%dma_wait3A_22 : memref<640x16xf32, #tpu.memory_space<vmem_shared>>)
      tpu.yield
    }) : () -> ()
    "tpu.region"() ({
      %run_scoped3A = tpu.sem_alloc : memref<!tpu.dma_semaphore, #tpu.memory_space<semaphore_mem>>
      %dma_start3A = arith.constant 0 : i32
      %dma_start3A_17 = arith.constant 0 : i32
      %dma_start3A_18 = tpu.memref_slice %arg3[%add3A, %dma_start3A, %dma_start3A_17] : memref<32x79x128xi32, #tpu.memory_space<hbm>> -> memref<1x79x128xi32, #tpu.memory_space<hbm>>
      %dma_start3A_19 = tpu.memref_squeeze %dma_start3A_18 : memref<1x79x128xi32, #tpu.memory_space<hbm>> -> memref<79x128xi32, #tpu.memory_space<hbm>>
      %dma_start3A_20 = arith.constant 0 : i32
      %dma_start3A_21 = arith.constant 0 : i32
      %dma_start3A_22 = tpu.memref_slice %arg3[%add3A, %dma_start3A_20, %dma_start3A_21] : memref<32x79x128xi32, #tpu.memory_space<hbm>> -> memref<1x79x128xi32, #tpu.memory_space<hbm>>
      %dma_start3A_23 = tpu.memref_squeeze %dma_start3A_22 : memref<1x79x128xi32, #tpu.memory_space<hbm>> -> memref<79x128xi32, #tpu.memory_space<hbm>>
      tpu.enqueue_dma source(%dma_start3A_23 : memref<79x128xi32, #tpu.memory_space<hbm>>) target(%arg6 : memref<79x128xi32, #tpu.memory_space<vmem>>) target_semaphore(%run_scoped3A : memref<!tpu.dma_semaphore, #tpu.memory_space<semaphore_mem>>)
      %dma_wait3A = arith.constant 0 : i32
      %dma_wait3A_24 = arith.constant 0 : i32
      %dma_wait3A_25 = tpu.memref_slice %arg3[%add3A, %dma_wait3A, %dma_wait3A_24] : memref<32x79x128xi32, #tpu.memory_space<hbm>> -> memref<1x79x128xi32, #tpu.memory_space<hbm>>
      %dma_wait3A_26 = tpu.memref_squeeze %dma_wait3A_25 : memref<1x79x128xi32, #tpu.memory_space<hbm>> -> memref<79x128xi32, #tpu.memory_space<hbm>>
      %dma_wait3A_27 = arith.constant 0 : i32
      %dma_wait3A_28 = arith.constant 0 : i32
      %dma_wait3A_29 = tpu.memref_slice %arg3[%add3A, %dma_wait3A_27, %dma_wait3A_28] : memref<32x79x128xi32, #tpu.memory_space<hbm>> -> memref<1x79x128xi32, #tpu.memory_space<hbm>>
      %dma_wait3A_30 = tpu.memref_squeeze %dma_wait3A_29 : memref<1x79x128xi32, #tpu.memory_space<hbm>> -> memref<79x128xi32, #tpu.memory_space<hbm>>
      tpu.wait_dma2 semaphore(%run_scoped3A : memref<!tpu.dma_semaphore, #tpu.memory_space<semaphore_mem>>) src(%dma_wait3A_30 : memref<79x128xi32, #tpu.memory_space<hbm>>) dst(%arg6 : memref<79x128xi32, #tpu.memory_space<vmem>>)
      tpu.yield
    }) : () -> ()
    "tpu.region"() ({
      %run_scoped3A = tpu.sem_alloc : memref<!tpu.dma_semaphore, #tpu.memory_space<semaphore_mem>>
      %dma_start3A = arith.constant 0 : i32
      %dma_start3A_17 = arith.constant 0 : i32
      %dma_start3A_18 = tpu.memref_slice %arg4[%add3A, %dma_start3A, %dma_start3A_17] : memref<32x79x128xi32, #tpu.memory_space<hbm>> -> memref<1x79x128xi32, #tpu.memory_space<hbm>>
      %dma_start3A_19 = tpu.memref_squeeze %dma_start3A_18 : memref<1x79x128xi32, #tpu.memory_space<hbm>> -> memref<79x128xi32, #tpu.memory_space<hbm>>
      %dma_start3A_20 = arith.constant 0 : i32
      %dma_start3A_21 = arith.constant 0 : i32
      %dma_start3A_22 = tpu.memref_slice %arg4[%add3A, %dma_start3A_20, %dma_start3A_21] : memref<32x79x128xi32, #tpu.memory_space<hbm>> -> memref<1x79x128xi32, #tpu.memory_space<hbm>>
      %dma_start3A_23 = tpu.memref_squeeze %dma_start3A_22 : memref<1x79x128xi32, #tpu.memory_space<hbm>> -> memref<79x128xi32, #tpu.memory_space<hbm>>
      tpu.enqueue_dma source(%dma_start3A_23 : memref<79x128xi32, #tpu.memory_space<hbm>>) target(%arg7 : memref<79x128xi32, #tpu.memory_space<vmem>>) target_semaphore(%run_scoped3A : memref<!tpu.dma_semaphore, #tpu.memory_space<semaphore_mem>>)
      %dma_wait3A = arith.constant 0 : i32
      %dma_wait3A_24 = arith.constant 0 : i32
      %dma_wait3A_25 = tpu.memref_slice %arg4[%add3A, %dma_wait3A, %dma_wait3A_24] : memref<32x79x128xi32, #tpu.memory_space<hbm>> -> memref<1x79x128xi32, #tpu.memory_space<hbm>>
      %dma_wait3A_26 = tpu.memref_squeeze %dma_wait3A_25 : memref<1x79x128xi32, #tpu.memory_space<hbm>> -> memref<79x128xi32, #tpu.memory_space<hbm>>
      %dma_wait3A_27 = arith.constant 0 : i32
      %dma_wait3A_28 = arith.constant 0 : i32
      %dma_wait3A_29 = tpu.memref_slice %arg4[%add3A, %dma_wait3A_27, %dma_wait3A_28] : memref<32x79x128xi32, #tpu.memory_space<hbm>> -> memref<1x79x128xi32, #tpu.memory_space<hbm>>
      %dma_wait3A_30 = tpu.memref_squeeze %dma_wait3A_29 : memref<1x79x128xi32, #tpu.memory_space<hbm>> -> memref<79x128xi32, #tpu.memory_space<hbm>>
      tpu.wait_dma2 semaphore(%run_scoped3A : memref<!tpu.dma_semaphore, #tpu.memory_space<semaphore_mem>>) src(%dma_wait3A_30 : memref<79x128xi32, #tpu.memory_space<hbm>>) dst(%arg7 : memref<79x128xi32, #tpu.memory_space<vmem>>)
      tpu.yield
    }) : () -> ()
    %barrier3A = arith.constant 0 : index
    tpu.barrier barrier_id(%barrier3A)
    %scan3A_8 = arith.constant 0 : i32
    %scan3A_9 = arith.constant 0 : i32
    %scan3A_10 = arith.constant 79 : i32
    %scan3A_11 = arith.addi %scan3A_9, %scan3A_10 : i32
    %scan3A_12 = arith.constant 1 : i32
    scf.for %scan3A_17 = %scan3A_9 to %scan3A_11 step %scan3A_12  : i32 {
      %dma_start3A = arith.constant 0 : i32
      %dma_start3A_18 = tpu.memref_slice %arg6[%scan3A_17, %dma_start3A] : memref<79x128xi32, #tpu.memory_space<vmem>> -> memref<1x128xi32, #tpu.memory_space<vmem>>
      %dma_start3A_19 = tpu.memref_squeeze %dma_start3A_18 : memref<1x128xi32, #tpu.memory_space<vmem>> -> memref<128xi32, #tpu.memory_space<vmem>>
      %dma_start3A_20 = arith.constant 0 : i32
      %dma_start3A_21 = arith.constant 0 : i32
      %dma_start3A_22 = tpu.memref_slice %arg2[%dma_start3A_20, %dma_start3A_21] : memref<10000x16xf32, #tpu.memory_space<hbm>> -> memref<10000x16xf32, #tpu.memory_space<hbm>>
      tpu.enqueue_indirect_dma source(%dma_start3A_22 : memref<10000x16xf32, #tpu.memory_space<hbm>>) target(%arg8 : memref<128x16xf32, #tpu.memory_space<vmem>>) offsets(%dma_start3A_19 : memref<128xi32, #tpu.memory_space<vmem>>) semaphore(%arg11 : memref<!tpu.dma_semaphore, #tpu.memory_space<semaphore_mem>>)
      %dma_wait3A = arith.constant 0 : i32
      %dma_wait3A_23 = tpu.memref_slice %arg6[%scan3A_17, %dma_wait3A] : memref<79x128xi32, #tpu.memory_space<vmem>> -> memref<1x128xi32, #tpu.memory_space<vmem>>
      %dma_wait3A_24 = tpu.memref_squeeze %dma_wait3A_23 : memref<1x128xi32, #tpu.memory_space<vmem>> -> memref<128xi32, #tpu.memory_space<vmem>>
      %dma_wait3A_25 = arith.constant 0 : i32
      %dma_wait3A_26 = arith.constant 0 : i32
      %dma_wait3A_27 = tpu.memref_slice %arg2[%dma_wait3A_25, %dma_wait3A_26] : memref<10000x16xf32, #tpu.memory_space<hbm>> -> memref<10000x16xf32, #tpu.memory_space<hbm>>
      tpu.wait_indirect_dma semaphore(%arg11 : memref<!tpu.dma_semaphore, #tpu.memory_space<semaphore_mem>>) src(%dma_wait3A_27 : memref<10000x16xf32, #tpu.memory_space<hbm>>) dst(%arg8 : memref<128x16xf32, #tpu.memory_space<vmem>>)
      "tpu.region"() ({
        %run_scoped3A = tpu.sem_alloc : memref<!tpu.dma_semaphore, #tpu.memory_space<semaphore_mem>>
        %dma_start3A_28 = arith.constant 0 : i32
        %dma_start3A_29 = tpu.memref_slice %arg7[%scan3A_17, %dma_start3A_28] : memref<79x128xi32, #tpu.memory_space<vmem>> -> memref<1x128xi32, #tpu.memory_space<vmem>>
        %dma_start3A_30 = tpu.memref_squeeze %dma_start3A_29 : memref<1x128xi32, #tpu.memory_space<vmem>> -> memref<128xi32, #tpu.memory_space<vmem>>
        %dma_start3A_31 = arith.constant 0 : i32
        %dma_start3A_32 = arith.constant 0 : i32
        %dma_start3A_33 = tpu.memref_slice %arg10[%dma_start3A_31, %dma_start3A_32] : memref<10240x16xf32, #tpu.memory_space<vmem_shared>> -> memref<10240x16xf32, #tpu.memory_space<vmem_shared>>
        tpu.enqueue_indirect_dma source(%arg8 : memref<128x16xf32, #tpu.memory_space<vmem>>) target(%dma_start3A_33 : memref<10240x16xf32, #tpu.memory_space<vmem_shared>>) offsets(%dma_start3A_30 : memref<128xi32, #tpu.memory_space<vmem>>) semaphore(%run_scoped3A : memref<!tpu.dma_semaphore, #tpu.memory_space<semaphore_mem>>) {add = true}
        %dma_wait3A_34 = arith.constant 0 : i32
        %dma_wait3A_35 = tpu.memref_slice %arg7[%scan3A_17, %dma_wait3A_34] : memref<79x128xi32, #tpu.memory_space<vmem>> -> memref<1x128xi32, #tpu.memory_space<vmem>>
        %dma_wait3A_36 = tpu.memref_squeeze %dma_wait3A_35 : memref<1x128xi32, #tpu.memory_space<vmem>> -> memref<128xi32, #tpu.memory_space<vmem>>
        %dma_wait3A_37 = arith.constant 0 : i32
        %dma_wait3A_38 = arith.constant 0 : i32
        %dma_wait3A_39 = tpu.memref_slice %arg10[%dma_wait3A_37, %dma_wait3A_38] : memref<10240x16xf32, #tpu.memory_space<vmem_shared>> -> memref<10240x16xf32, #tpu.memory_space<vmem_shared>>
        tpu.wait_indirect_dma semaphore(%run_scoped3A : memref<!tpu.dma_semaphore, #tpu.memory_space<semaphore_mem>>) src(%arg8 : memref<128x16xf32, #tpu.memory_space<vmem>>) dst(%dma_wait3A_39 : memref<10240x16xf32, #tpu.memory_space<vmem_shared>>)
        tpu.yield
      }) : () -> ()
    }
    %scan3A_13 = arith.constant 79 : i32
    %barrier3A_14 = arith.constant 0 : index
    tpu.barrier barrier_id(%barrier3A_14)
    %eq3A = arith.constant 0 : i32
    %eq3A_15 = arith.cmpi eq, %arg1, %eq3A : i32
    %convert_element_type3A = arith.extui %eq3A_15 : i1 to i32
    %cond3A = arith.constant 0 : i32
    %cond3A_16 = arith.cmpi ne, %convert_element_type3A, %cond3A : i32
    scf.if %cond3A_16 {
      "tpu.region"() ({
        %run_scoped3A = tpu.sem_alloc : memref<!tpu.dma_semaphore, #tpu.memory_space<semaphore_mem>>
        %dma_start3A = arith.constant 0 : i32
        %dma_start3A_17 = arith.constant 0 : i32
        %dma_start3A_18 = tpu.memref_slice %arg5[%arg0, %dma_start3A, %dma_start3A_17] : memref<2x10240x16xf32, #tpu.memory_space<hbm>> -> memref<1x10240x16xf32, #tpu.memory_space<hbm>>
        %dma_start3A_19 = tpu.memref_squeeze %dma_start3A_18 : memref<1x10240x16xf32, #tpu.memory_space<hbm>> -> memref<10240x16xf32, #tpu.memory_space<hbm>>
        tpu.enqueue_dma source(%arg10 : memref<10240x16xf32, #tpu.memory_space<vmem_shared>>) target(%dma_start3A_19 : memref<10240x16xf32, #tpu.memory_space<hbm>>) target_semaphore(%run_scoped3A : memref<!tpu.dma_semaphore, #tpu.memory_space<semaphore_mem>>)
        %dma_wait3A = arith.constant 0 : i32
        %dma_wait3A_20 = arith.constant 0 : i32
        %dma_wait3A_21 = tpu.memref_slice %arg5[%arg0, %dma_wait3A, %dma_wait3A_20] : memref<2x10240x16xf32, #tpu.memory_space<hbm>> -> memref<1x10240x16xf32, #tpu.memory_space<hbm>>
        %dma_wait3A_22 = tpu.memref_squeeze %dma_wait3A_21 : memref<1x10240x16xf32, #tpu.memory_space<hbm>> -> memref<10240x16xf32, #tpu.memory_space<hbm>>
        tpu.wait_dma2 semaphore(%run_scoped3A : memref<!tpu.dma_semaphore, #tpu.memory_space<semaphore_mem>>) src(%arg10 : memref<10240x16xf32, #tpu.memory_space<vmem_shared>>) dst(%dma_wait3A_22 : memref<10240x16xf32, #tpu.memory_space<hbm>>)
        tpu.yield
      }) : () -> ()
    } else {
    }
    return
  }
}

module attributes {stable_mosaic.version = 14 : i64} {
  func.func @_tc1_body(%arg0: i32, %arg1: memref<2000x128xf32, #tpu.memory_space<vmem>>, %arg2: memref<128x16xf32, #tpu.memory_space<vmem>>, %arg3: memref<2000x2xf32, #tpu.memory_space<vmem>>, %arg4: memref<2000x16xf32, #tpu.memory_space<vmem>>, %arg5: memref<2000x16xf32, #tpu.memory_space<vmem>>) attributes {dimension_semantics = [#tpu.dimension_semantics<arbitrary>], iteration_bounds = array<i64: 5>, scalar_prefetch = 0 : i64, scratch_operands = 0 : i64, tpu.core_type = #tpu.core_type<tc>, window_params = [{transform_indices = @transform_0, window_bounds = array<i64: 2000, 128>}, {pipeline_mode = #tpu.pipeline_mode<synchronous>, transform_indices = @transform_1, window_bounds = array<i64: 128, 16>}, {transform_indices = @transform_2, window_bounds = array<i64: 2000, 2>}, {transform_indices = @transform_3, window_bounds = array<i64: 2000, 16>}, {transform_indices = @transform_4, window_bounds = array<i64: 2000, 16>}]} {
    %get3A = arith.constant 0 : index
    %get3A_0 = arith.constant 0 : index
    %get3A_1 = vector.load %arg1[%get3A, %get3A_0] : memref<2000x128xf32, #tpu.memory_space<vmem>>, vector<2000x128xf32>
    %get3A_2 = arith.constant 0 : index
    %get3A_3 = arith.constant 0 : index
    %get3A_4 = vector.load %arg2[%get3A_2, %get3A_3] : memref<128x16xf32, #tpu.memory_space<vmem>>, vector<128x16xf32>
    %dot_general3A = arith.constant dense<0.000000e+00> : vector<2000x16xf32>
    %dot_general3A_5 = tpu.matmul %get3A_1, %get3A_4, %dot_general3A {dimension_numbers = #tpu.dot_dimension_numbers<[1], [0], [0], [1], [0, 0, 1, 1], [], []>, transpose_lhs_hint = false} : vector<2000x128xf32>, vector<128x16xf32>, vector<2000x16xf32> -> vector<2000x16xf32>
    %get3A_6 = arith.constant 0 : index
    %get3A_7 = arith.constant 0 : index
    %get3A_8 = vector.load %arg3[%get3A_6, %get3A_7] : memref<2000x2xf32, #tpu.memory_space<vmem>>, vector<2000x1xf32>
    %get3A_9 = arith.constant 0 : index
    %get3A_10 = arith.constant 1 : index
    %get3A_11 = vector.load %arg3[%get3A_9, %get3A_10] : memref<2000x2xf32, #tpu.memory_space<vmem>>, vector<2000x1xf32>
    %add3A = arith.addf %get3A_8, %get3A_11 : vector<2000x1xf32>
    %add3A_12 = arith.constant 1.000000e+00 : f32
    %add3A_13 = vector.broadcast %add3A_12 : f32 to vector<2000x1xf32>
    %add3A_14 = arith.addf %add3A, %add3A_13 : vector<2000x1xf32>
    %rsqrt3A = math.rsqrt %add3A_14 : vector<2000x1xf32>
    %mul3A = vector.broadcast %rsqrt3A : vector<2000x1xf32> to vector<2000x16xf32>
    %mul3A_15 = arith.mulf %dot_general3A_5, %mul3A : vector<2000x16xf32>
    %swap3A = arith.constant 0 : index
    %swap3A_16 = arith.constant 0 : index
    %swap3A_17 = vector.load %arg4[%swap3A, %swap3A_16] : memref<2000x16xf32, #tpu.memory_space<vmem>>, vector<2000x16xf32>
    tpu.vector_store %arg4[%swap3A, %swap3A_16], %mul3A_15 {strides = array<i32>} : memref<2000x16xf32, #tpu.memory_space<vmem>>, vector<2000x16xf32>,
    %broadcast_in_dim3A = vector.shape_cast %rsqrt3A : vector<2000x1xf32> to vector<2000x1xf32>
    %broadcast_in_dim3A_18 = vector.broadcast %broadcast_in_dim3A : vector<2000x1xf32> to vector<2000x16xf32>
    %swap3A_19 = arith.constant 0 : index
    %swap3A_20 = arith.constant 0 : index
    %swap3A_21 = vector.load %arg5[%swap3A_19, %swap3A_20] : memref<2000x16xf32, #tpu.memory_space<vmem>>, vector<2000x16xf32>
    tpu.vector_store %arg5[%swap3A_19, %swap3A_20], %broadcast_in_dim3A_18 {strides = array<i32>} : memref<2000x16xf32, #tpu.memory_space<vmem>>, vector<2000x16xf32>,
    return
  }
  func.func @transform_0(%arg0: i32) -> (i32, i32) {
    %c0_i32 = arith.constant 0 : i32
    %c0_i32_0 = arith.constant 0 : i32
    return %arg0, %c0_i32 : i32, i32
  }
  func.func @transform_1(%arg0: i32) -> (i32, i32) {
    %c0_i32 = arith.constant 0 : i32
    %c0_i32_0 = arith.constant 0 : i32
    %c0_i32_1 = arith.constant 0 : i32
    return %c0_i32, %c0_i32_0 : i32, i32
  }
  func.func @transform_2(%arg0: i32) -> (i32, i32) {
    %c0_i32 = arith.constant 0 : i32
    %c0_i32_0 = arith.constant 0 : i32
    return %arg0, %c0_i32 : i32, i32
  }
  func.func @transform_3(%arg0: i32) -> (i32, i32) {
    %c0_i32 = arith.constant 0 : i32
    %c0_i32_0 = arith.constant 0 : i32
    return %arg0, %c0_i32 : i32, i32
  }
  func.func @transform_4(%arg0: i32) -> (i32, i32) {
    %c0_i32 = arith.constant 0 : i32
    %c0_i32_0 = arith.constant 0 : i32
    return %arg0, %c0_i32 : i32, i32
  }
}

module attributes {stable_mosaic.version = 14 : i64} {
  func.func @_tc2_body(%arg0: i32, %arg1: memref<2000x16xf32, #tpu.memory_space<vmem>>, %arg2: memref<2000x16xf32, #tpu.memory_space<vmem>>, %arg3: memref<2000x16xf32, #tpu.memory_space<vmem>>, %arg4: memref<2000x16xf32, #tpu.memory_space<vmem>>, %arg5: memref<16x10xf32, #tpu.memory_space<vmem>>, %arg6: memref<1x10xf32, #tpu.memory_space<vmem>>, %arg7: memref<10x16xf32, #tpu.memory_space<vmem>>, %arg8: memref<1x16xf32, #tpu.memory_space<vmem>>, %arg9: memref<16x16xf32, #tpu.memory_space<vmem>>, %arg10: memref<2000x16xf32, #tpu.memory_space<vmem>>) attributes {dimension_semantics = [#tpu.dimension_semantics<arbitrary>], iteration_bounds = array<i64: 5>, scalar_prefetch = 0 : i64, scratch_operands = 0 : i64, tpu.core_type = #tpu.core_type<tc>, window_params = [{transform_indices = @transform_0, window_bounds = array<i64: 2000, 16>}, {transform_indices = @transform_1, window_bounds = array<i64: 2000, 16>}, {transform_indices = @transform_2, window_bounds = array<i64: 2000, 16>}, {transform_indices = @transform_3, window_bounds = array<i64: 2000, 16>}, {pipeline_mode = #tpu.pipeline_mode<synchronous>, transform_indices = @transform_4, window_bounds = array<i64: 16, 10>}, {pipeline_mode = #tpu.pipeline_mode<synchronous>, transform_indices = @transform_5, window_bounds = array<i64: 1, 10>}, {pipeline_mode = #tpu.pipeline_mode<synchronous>, transform_indices = @transform_6, window_bounds = array<i64: 10, 16>}, {pipeline_mode = #tpu.pipeline_mode<synchronous>, transform_indices = @transform_7, window_bounds = array<i64: 1, 16>}, {pipeline_mode = #tpu.pipeline_mode<synchronous>, transform_indices = @transform_8, window_bounds = array<i64: 16, 16>}, {transform_indices = @transform_9, window_bounds = array<i64: 2000, 16>}]} {
    %get3A = arith.constant 0 : index
    %get3A_0 = arith.constant 0 : index
    %get3A_1 = vector.load %arg4[%get3A, %get3A_0] : memref<2000x16xf32, #tpu.memory_space<vmem>>, vector<2000x16xf32>
    %get3A_2 = arith.constant 0 : index
    %get3A_3 = arith.constant 0 : index
    %get3A_4 = vector.load %arg1[%get3A_2, %get3A_3] : memref<2000x16xf32, #tpu.memory_space<vmem>>, vector<2000x16xf32>
    %get3A_5 = arith.constant 0 : index
    %get3A_6 = arith.constant 0 : index
    %get3A_7 = vector.load %arg2[%get3A_5, %get3A_6] : memref<2000x16xf32, #tpu.memory_space<vmem>>, vector<2000x16xf32>
    %add3A = arith.addf %get3A_4, %get3A_7 : vector<2000x16xf32>
    %get3A_8 = arith.constant 0 : index
    %get3A_9 = arith.constant 0 : index
    %get3A_10 = vector.load %arg3[%get3A_8, %get3A_9] : memref<2000x16xf32, #tpu.memory_space<vmem>>, vector<2000x16xf32>
    %add3A_11 = arith.addf %add3A, %get3A_10 : vector<2000x16xf32>
    %mul3A = arith.mulf %get3A_1, %add3A_11 : vector<2000x16xf32>
    %get3A_12 = arith.constant 0 : index
    %get3A_13 = arith.constant 0 : index
    %get3A_14 = vector.load %arg5[%get3A_12, %get3A_13] : memref<16x10xf32, #tpu.memory_space<vmem>>, vector<16x10xf32>
    %dot_general3A = arith.constant dense<0.000000e+00> : vector<2000x10xf32>
    %dot_general3A_15 = tpu.matmul %mul3A, %get3A_14, %dot_general3A {dimension_numbers = #tpu.dot_dimension_numbers<[1], [0], [0], [1], [0, 0, 1, 1], [], []>, transpose_lhs_hint = false} : vector<2000x16xf32>, vector<16x10xf32>, vector<2000x10xf32> -> vector<2000x10xf32>
    %get3A_16 = arith.constant 0 : index
    %get3A_17 = arith.constant 0 : index
    %get3A_18 = vector.load %arg6[%get3A_16, %get3A_17] : memref<1x10xf32, #tpu.memory_space<vmem>>, vector<1x10xf32>
    %add3A_19 = vector.broadcast %get3A_18 : vector<1x10xf32> to vector<2000x10xf32>
    %add3A_20 = arith.addf %dot_general3A_15, %add3A_19 : vector<2000x10xf32>
    %reduce_max3A = arith.constant dense<0xFF800000> : vector<2000xf32>
    %reduce_max3A_21 = vector.multi_reduction <maximumf>, %add3A_20, %reduce_max3A [1] : vector<2000x10xf32> to vector<2000xf32>
    %max3A = arith.constant 0xFF800000 : f32
    %max3A_22 = vector.broadcast %max3A : f32 to vector<2000xf32>
    %max3A_23 = arith.maximumf %max3A_22, %reduce_max3A_21 : vector<2000xf32>
    %broadcast_in_dim3A = vector.shape_cast %max3A_23 : vector<2000xf32> to vector<2000x1xf32>
    %sub3A = vector.broadcast %broadcast_in_dim3A : vector<2000x1xf32> to vector<2000x10xf32>
    %sub3A_24 = arith.subf %add3A_20, %sub3A : vector<2000x10xf32>
    %exp3A = math.exp %sub3A_24 : vector<2000x10xf32>
    %reduce_sum3A = arith.constant dense<0.000000e+00> : vector<2000xf32>
    %reduce_sum3A_25 = vector.multi_reduction <add>, %exp3A, %reduce_sum3A [1] : vector<2000x10xf32> to vector<2000xf32>
    %broadcast_in_dim3A_26 = vector.shape_cast %reduce_sum3A_25 : vector<2000xf32> to vector<2000x1xf32>
    %div3A = vector.broadcast %broadcast_in_dim3A_26 : vector<2000x1xf32> to vector<2000x10xf32>
    %div3A_27 = arith.divf %exp3A, %div3A : vector<2000x10xf32>
    %get3A_28 = arith.constant 0 : index
    %get3A_29 = arith.constant 0 : index
    %get3A_30 = vector.load %arg7[%get3A_28, %get3A_29] : memref<10x16xf32, #tpu.memory_space<vmem>>, vector<10x16xf32>
    %dot_general3A_31 = arith.constant dense<0.000000e+00> : vector<2000x16xf32>
    %dot_general3A_32 = tpu.matmul %div3A_27, %get3A_30, %dot_general3A_31 {dimension_numbers = #tpu.dot_dimension_numbers<[1], [0], [0], [1], [0, 0, 1, 1], [], []>, transpose_lhs_hint = false} : vector<2000x10xf32>, vector<10x16xf32>, vector<2000x16xf32> -> vector<2000x16xf32>
    %mul3A_33 = arith.mulf %mul3A, %dot_general3A_32 : vector<2000x16xf32>
    %get3A_34 = arith.constant 0 : index
    %get3A_35 = arith.constant 0 : index
    %get3A_36 = vector.load %arg8[%get3A_34, %get3A_35] : memref<1x16xf32, #tpu.memory_space<vmem>>, vector<1x16xf32>
    %add3A_37 = vector.broadcast %get3A_36 : vector<1x16xf32> to vector<2000x16xf32>
    %add3A_38 = arith.addf %mul3A_33, %add3A_37 : vector<2000x16xf32>
    %mul3A_39 = arith.constant 1.000000e-03 : f32
    %mul3A_40 = vector.broadcast %mul3A_39 : f32 to vector<2000x16xf32>
    %mul3A_41 = arith.mulf %mul3A_40, %add3A_38 : vector<2000x16xf32>
    %add3A_42 = arith.addf %mul3A, %mul3A_41 : vector<2000x16xf32>
    %max3A_43 = arith.constant 0.000000e+00 : f32
    %max3A_44 = vector.broadcast %max3A_43 : f32 to vector<2000x16xf32>
    %max3A_45 = arith.maximumf %add3A_42, %max3A_44 : vector<2000x16xf32>
    %get3A_46 = arith.constant 0 : index
    %get3A_47 = arith.constant 0 : index
    %get3A_48 = vector.load %arg9[%get3A_46, %get3A_47] : memref<16x16xf32, #tpu.memory_space<vmem>>, vector<16x16xf32>
    %dot_general3A_49 = arith.constant dense<0.000000e+00> : vector<2000x16xf32>
    %dot_general3A_50 = tpu.matmul %max3A_45, %get3A_48, %dot_general3A_49 {dimension_numbers = #tpu.dot_dimension_numbers<[1], [0], [0], [1], [0, 0, 1, 1], [], []>, transpose_lhs_hint = false} : vector<2000x16xf32>, vector<16x16xf32>, vector<2000x16xf32> -> vector<2000x16xf32>
    %get3A_51 = arith.constant 0 : index
    %get3A_52 = arith.constant 0 : index
    %get3A_53 = vector.load %arg4[%get3A_51, %get3A_52] : memref<2000x16xf32, #tpu.memory_space<vmem>>, vector<2000x16xf32>
    %mul3A_54 = arith.mulf %dot_general3A_50, %get3A_53 : vector<2000x16xf32>
    %swap3A = arith.constant 0 : index
    %swap3A_55 = arith.constant 0 : index
    %swap3A_56 = vector.load %arg10[%swap3A, %swap3A_55] : memref<2000x16xf32, #tpu.memory_space<vmem>>, vector<2000x16xf32>
    tpu.vector_store %arg10[%swap3A, %swap3A_55], %mul3A_54 {strides = array<i32>} : memref<2000x16xf32, #tpu.memory_space<vmem>>, vector<2000x16xf32>,
    return
  }
  func.func @transform_0(%arg0: i32) -> (i32, i32) {
    %c0_i32 = arith.constant 0 : i32
    %c0_i32_0 = arith.constant 0 : i32
    return %arg0, %c0_i32 : i32, i32
  }
  func.func @transform_1(%arg0: i32) -> (i32, i32) {
    %c0_i32 = arith.constant 0 : i32
    %c0_i32_0 = arith.constant 0 : i32
    return %arg0, %c0_i32 : i32, i32
  }
  func.func @transform_2(%arg0: i32) -> (i32, i32) {
    %c0_i32 = arith.constant 0 : i32
    %c0_i32_0 = arith.constant 0 : i32
    return %arg0, %c0_i32 : i32, i32
  }
  func.func @transform_3(%arg0: i32) -> (i32, i32) {
    %c0_i32 = arith.constant 0 : i32
    %c0_i32_0 = arith.constant 0 : i32
    return %arg0, %c0_i32 : i32, i32
  }
  func.func @transform_4(%arg0: i32) -> (i32, i32) {
    %c0_i32 = arith.constant 0 : i32
    %c0_i32_0 = arith.constant 0 : i32
    %c0_i32_1 = arith.constant 0 : i32
    return %c0_i32, %c0_i32_0 : i32, i32
  }
  func.func @transform_5(%arg0: i32) -> (i32, i32) {
    %c0_i32 = arith.constant 0 : i32
    %c0_i32_0 = arith.constant 0 : i32
    %c0_i32_1 = arith.constant 0 : i32
    return %c0_i32, %c0_i32_0 : i32, i32
  }
  func.func @transform_6(%arg0: i32) -> (i32, i32) {
    %c0_i32 = arith.constant 0 : i32
    %c0_i32_0 = arith.constant 0 : i32
    %c0_i32_1 = arith.constant 0 : i32
    return %c0_i32, %c0_i32_0 : i32, i32
  }
  func.func @transform_7(%arg0: i32) -> (i32, i32) {
    %c0_i32 = arith.constant 0 : i32
    %c0_i32_0 = arith.constant 0 : i32
    %c0_i32_1 = arith.constant 0 : i32
    return %c0_i32, %c0_i32_0 : i32, i32
  }
  func.func @transform_8(%arg0: i32) -> (i32, i32) {
    %c0_i32 = arith.constant 0 : i32
    %c0_i32_0 = arith.constant 0 : i32
    %c0_i32_1 = arith.constant 0 : i32
    return %c0_i32, %c0_i32_0 : i32, i32
  }
  func.func @transform_9(%arg0: i32) -> (i32, i32) {
    %c0_i32 = arith.constant 0 : i32
    %c0_i32_0 = arith.constant 0 : i32
    return %arg0, %c0_i32 : i32, i32
  }
}

module attributes {stable_mosaic.version = 14 : i64} {
  func.func @_tc3_body(%arg0: i32, %arg1: memref<2000x16xf32, #tpu.memory_space<vmem>>, %arg2: memref<2000x16xf32, #tpu.memory_space<vmem>>, %arg3: memref<2000x16xf32, #tpu.memory_space<vmem>>, %arg4: memref<2000x16xf32, #tpu.memory_space<vmem>>, %arg5: memref<16x10xf32, #tpu.memory_space<vmem>>, %arg6: memref<1x10xf32, #tpu.memory_space<vmem>>, %arg7: memref<10x16xf32, #tpu.memory_space<vmem>>, %arg8: memref<1x16xf32, #tpu.memory_space<vmem>>, %arg9: memref<2000x16xf32, #tpu.memory_space<vmem>>) attributes {dimension_semantics = [#tpu.dimension_semantics<arbitrary>], iteration_bounds = array<i64: 5>, scalar_prefetch = 0 : i64, scratch_operands = 0 : i64, tpu.core_type = #tpu.core_type<tc>, window_params = [{transform_indices = @transform_0, window_bounds = array<i64: 2000, 16>}, {transform_indices = @transform_1, window_bounds = array<i64: 2000, 16>}, {transform_indices = @transform_2, window_bounds = array<i64: 2000, 16>}, {transform_indices = @transform_3, window_bounds = array<i64: 2000, 16>}, {pipeline_mode = #tpu.pipeline_mode<synchronous>, transform_indices = @transform_4, window_bounds = array<i64: 16, 10>}, {pipeline_mode = #tpu.pipeline_mode<synchronous>, transform_indices = @transform_5, window_bounds = array<i64: 1, 10>}, {pipeline_mode = #tpu.pipeline_mode<synchronous>, transform_indices = @transform_6, window_bounds = array<i64: 10, 16>}, {pipeline_mode = #tpu.pipeline_mode<synchronous>, transform_indices = @transform_7, window_bounds = array<i64: 1, 16>}, {transform_indices = @transform_8, window_bounds = array<i64: 2000, 16>}]} {
    %get3A = arith.constant 0 : index
    %get3A_0 = arith.constant 0 : index
    %get3A_1 = vector.load %arg4[%get3A, %get3A_0] : memref<2000x16xf32, #tpu.memory_space<vmem>>, vector<2000x16xf32>
    %get3A_2 = arith.constant 0 : index
    %get3A_3 = arith.constant 0 : index
    %get3A_4 = vector.load %arg1[%get3A_2, %get3A_3] : memref<2000x16xf32, #tpu.memory_space<vmem>>, vector<2000x16xf32>
    %get3A_5 = arith.constant 0 : index
    %get3A_6 = arith.constant 0 : index
    %get3A_7 = vector.load %arg2[%get3A_5, %get3A_6] : memref<2000x16xf32, #tpu.memory_space<vmem>>, vector<2000x16xf32>
    %add3A = arith.addf %get3A_4, %get3A_7 : vector<2000x16xf32>
    %get3A_8 = arith.constant 0 : index
    %get3A_9 = arith.constant 0 : index
    %get3A_10 = vector.load %arg3[%get3A_8, %get3A_9] : memref<2000x16xf32, #tpu.memory_space<vmem>>, vector<2000x16xf32>
    %add3A_11 = arith.addf %add3A, %get3A_10 : vector<2000x16xf32>
    %mul3A = arith.mulf %get3A_1, %add3A_11 : vector<2000x16xf32>
    %get3A_12 = arith.constant 0 : index
    %get3A_13 = arith.constant 0 : index
    %get3A_14 = vector.load %arg5[%get3A_12, %get3A_13] : memref<16x10xf32, #tpu.memory_space<vmem>>, vector<16x10xf32>
    %dot_general3A = arith.constant dense<0.000000e+00> : vector<2000x10xf32>
    %dot_general3A_15 = tpu.matmul %mul3A, %get3A_14, %dot_general3A {dimension_numbers = #tpu.dot_dimension_numbers<[1], [0], [0], [1], [0, 0, 1, 1], [], []>, transpose_lhs_hint = false} : vector<2000x16xf32>, vector<16x10xf32>, vector<2000x10xf32> -> vector<2000x10xf32>
    %get3A_16 = arith.constant 0 : index
    %get3A_17 = arith.constant 0 : index
    %get3A_18 = vector.load %arg6[%get3A_16, %get3A_17] : memref<1x10xf32, #tpu.memory_space<vmem>>, vector<1x10xf32>
    %add3A_19 = vector.broadcast %get3A_18 : vector<1x10xf32> to vector<2000x10xf32>
    %add3A_20 = arith.addf %dot_general3A_15, %add3A_19 : vector<2000x10xf32>
    %reduce_max3A = arith.constant dense<0xFF800000> : vector<2000xf32>
    %reduce_max3A_21 = vector.multi_reduction <maximumf>, %add3A_20, %reduce_max3A [1] : vector<2000x10xf32> to vector<2000xf32>
    %max3A = arith.constant 0xFF800000 : f32
    %max3A_22 = vector.broadcast %max3A : f32 to vector<2000xf32>
    %max3A_23 = arith.maximumf %max3A_22, %reduce_max3A_21 : vector<2000xf32>
    %broadcast_in_dim3A = vector.shape_cast %max3A_23 : vector<2000xf32> to vector<2000x1xf32>
    %sub3A = vector.broadcast %broadcast_in_dim3A : vector<2000x1xf32> to vector<2000x10xf32>
    %sub3A_24 = arith.subf %add3A_20, %sub3A : vector<2000x10xf32>
    %exp3A = math.exp %sub3A_24 : vector<2000x10xf32>
    %reduce_sum3A = arith.constant dense<0.000000e+00> : vector<2000xf32>
    %reduce_sum3A_25 = vector.multi_reduction <add>, %exp3A, %reduce_sum3A [1] : vector<2000x10xf32> to vector<2000xf32>
    %broadcast_in_dim3A_26 = vector.shape_cast %reduce_sum3A_25 : vector<2000xf32> to vector<2000x1xf32>
    %div3A = vector.broadcast %broadcast_in_dim3A_26 : vector<2000x1xf32> to vector<2000x10xf32>
    %div3A_27 = arith.divf %exp3A, %div3A : vector<2000x10xf32>
    %get3A_28 = arith.constant 0 : index
    %get3A_29 = arith.constant 0 : index
    %get3A_30 = vector.load %arg7[%get3A_28, %get3A_29] : memref<10x16xf32, #tpu.memory_space<vmem>>, vector<10x16xf32>
    %dot_general3A_31 = arith.constant dense<0.000000e+00> : vector<2000x16xf32>
    %dot_general3A_32 = tpu.matmul %div3A_27, %get3A_30, %dot_general3A_31 {dimension_numbers = #tpu.dot_dimension_numbers<[1], [0], [0], [1], [0, 0, 1, 1], [], []>, transpose_lhs_hint = false} : vector<2000x10xf32>, vector<10x16xf32>, vector<2000x16xf32> -> vector<2000x16xf32>
    %mul3A_33 = arith.mulf %mul3A, %dot_general3A_32 : vector<2000x16xf32>
    %get3A_34 = arith.constant 0 : index
    %get3A_35 = arith.constant 0 : index
    %get3A_36 = vector.load %arg8[%get3A_34, %get3A_35] : memref<1x16xf32, #tpu.memory_space<vmem>>, vector<1x16xf32>
    %add3A_37 = vector.broadcast %get3A_36 : vector<1x16xf32> to vector<2000x16xf32>
    %add3A_38 = arith.addf %mul3A_33, %add3A_37 : vector<2000x16xf32>
    %mul3A_39 = arith.constant 1.000000e-03 : f32
    %mul3A_40 = vector.broadcast %mul3A_39 : f32 to vector<2000x16xf32>
    %mul3A_41 = arith.mulf %mul3A_40, %add3A_38 : vector<2000x16xf32>
    %add3A_42 = arith.addf %mul3A, %mul3A_41 : vector<2000x16xf32>
    %max3A_43 = arith.constant 0.000000e+00 : f32
    %max3A_44 = vector.broadcast %max3A_43 : f32 to vector<2000x16xf32>
    %max3A_45 = arith.maximumf %add3A_42, %max3A_44 : vector<2000x16xf32>
    %swap3A = arith.constant 0 : index
    %swap3A_46 = arith.constant 0 : index
    %swap3A_47 = vector.load %arg9[%swap3A, %swap3A_46] : memref<2000x16xf32, #tpu.memory_space<vmem>>, vector<2000x16xf32>
    tpu.vector_store %arg9[%swap3A, %swap3A_46], %max3A_45 {strides = array<i32>} : memref<2000x16xf32, #tpu.memory_space<vmem>>, vector<2000x16xf32>,
    return
  }
  func.func @transform_0(%arg0: i32) -> (i32, i32) {
    %c0_i32 = arith.constant 0 : i32
    %c0_i32_0 = arith.constant 0 : i32
    return %arg0, %c0_i32 : i32, i32
  }
  func.func @transform_1(%arg0: i32) -> (i32, i32) {
    %c0_i32 = arith.constant 0 : i32
    %c0_i32_0 = arith.constant 0 : i32
    return %arg0, %c0_i32 : i32, i32
  }
  func.func @transform_2(%arg0: i32) -> (i32, i32) {
    %c0_i32 = arith.constant 0 : i32
    %c0_i32_0 = arith.constant 0 : i32
    return %arg0, %c0_i32 : i32, i32
  }
  func.func @transform_3(%arg0: i32) -> (i32, i32) {
    %c0_i32 = arith.constant 0 : i32
    %c0_i32_0 = arith.constant 0 : i32
    return %arg0, %c0_i32 : i32, i32
  }
  func.func @transform_4(%arg0: i32) -> (i32, i32) {
    %c0_i32 = arith.constant 0 : i32
    %c0_i32_0 = arith.constant 0 : i32
    %c0_i32_1 = arith.constant 0 : i32
    return %c0_i32, %c0_i32_0 : i32, i32
  }
  func.func @transform_5(%arg0: i32) -> (i32, i32) {
    %c0_i32 = arith.constant 0 : i32
    %c0_i32_0 = arith.constant 0 : i32
    %c0_i32_1 = arith.constant 0 : i32
    return %c0_i32, %c0_i32_0 : i32, i32
  }
  func.func @transform_6(%arg0: i32) -> (i32, i32) {
    %c0_i32 = arith.constant 0 : i32
    %c0_i32_0 = arith.constant 0 : i32
    %c0_i32_1 = arith.constant 0 : i32
    return %c0_i32, %c0_i32_0 : i32, i32
  }
  func.func @transform_7(%arg0: i32) -> (i32, i32) {
    %c0_i32 = arith.constant 0 : i32
    %c0_i32_0 = arith.constant 0 : i32
    %c0_i32_1 = arith.constant 0 : i32
    return %c0_i32, %c0_i32_0 : i32, i32
  }
  func.func @transform_8(%arg0: i32) -> (i32, i32) {
    %c0_i32 = arith.constant 0 : i32
    %c0_i32_0 = arith.constant 0 : i32
    return %arg0, %c0_i32 : i32, i32
  }
}

</mosaic_0001>

<sc_bundles>
// kernel: kernel.11.cloned.1.call-start
scs
__scs_entry_jumppad:
0x0: {  	(pc) =	sbr.rel $0x88, $3  }
0x1: {  	(tag) =	ssettag $0x0;
	lr =	simm.s32 $0x1  }
0x2: {  	[smem:$0x3F91] =	sst lr;
	_ =	strace $0xD0000000  }
0x3: {  	_ = 	snop  }
0x4: {  	_ = 	snop  }
0x5: {  	_ = 	snop  }
0x6: {  	_ = 	snop  }
0x7: {  	_ = 	snop  }
__scs_overlays_trampoline_lowered:
0x8: {  	[smem:$0x3FA0] =	sst s0  }
0x9: {  	[smem:$0x3FA1] =	sst s1  }
0xa: {  	[smem:$0x3FA2] =	sst s2  }
0xb: {  	[smem:$0x3FA3] =	sst s3  }
0xc: {  	[smem:$0x3FA4] =	sst s4  }
0xd: {  	[smem:$0x3FA5] =	sst s5  }
0xe: {  	[smem:$0x3FA6] =	sst s6  }
0xf: {  	[smem:$0x3FA7] =	sst s7  }
0x10: {  	[smem:$0x3FA8] =	sst s8  }
0x11: {  	[smem:$0x3FA9] =	sst s9;
	s0 =	simm.s32 @!p0 $0x0  }
0x12: {  	s1 =	sld [smem:$0x3F8F];
	s0 =	simm.s32 @p0 $0x1  }
0x13: {  	[smem:$0x3FAA] =	sst s0;
	s0 =	simm.s32 @!p1 $0x0  }
0x14: {  	s2 =	sld [smem:$0x3F8E];
	s0 =	simm.s32 @p1 $0x1  }
0x15: {  	[smem:$0x3FAB] =	sst s0;
	s0 =	simm.s32 @!p2 $0x0  }
0x16: {  	s3 =	sld [smem:$0x3FDB];
	s0 =	simm.s32 @p2 $0x1  }
0x17: {  	s4 =	simm.s32 $0x1BF5;
	[smem:$0x3FAD] =	sst s0  }
0x18: {  	s0 =	sld [smem:$0x3F90];
	_ =	swait.ge [sflag:s4], $0x0  }
0x19: {  	s7 =	sld [smem:$0x3F91]  }
0x1a: {  	s8 =	sadd.s32 $0xFFFFE003, lr  }
0x1b: {  	s9 =	sadd.s32 $0xFFFFFEF7, lr;
	s5 =	simm.s32 $0xFFFFFFFF;
	p2 =	slt.u32 s8, $0xFFFFF086  }
0x1c: {  	p1 =	slt.u32 s9, $0xF7A;
	s5 =	simm.s32 @!p2 $0x0  }
0x1d: {  	s5 =	simm.s32 @p1 $0x1;
	p0 =	seq.s32 s7, s2  }
0x1e: {  	s7 =	smul.u32 @!p0 $0xF7A, s2;
	p2 =	seq.s32 @!p0 s5, $0x0  }
0x1f: {  	s9 =	smul.u32 $0xF7A, s1;
	s8 =	simm.s32 @!p0 $0x1BF5;
	p2 =	por !p2, p0  }
0x20: {  	[sflag:s8] =	ssyncset.s32 @!p0 $0xFFFFF086;
	s6 =	sadd.s32 @!p0 s3, s7;
	s7 =	simm.s32 @!p0 $0x108  }
0x21: {  	s3 =	sadd.s32 s3, s9;
	s6 =	sadd.s32 @!p0 $0x88, s6;
	s7 =	simm.s32 @p2 $0x1082  }
0x22: {  	[simem:s7], [sflag:s8] =	dma.local @!p0 [hbm:s6], $0xF7A  }
0x23: {  	s9 =	sor.u32 $0xD0000000, s2;
	s6 =	simm.s32 $0x108;
	_ =	swait.ge @!p0 [sflag:s8], $0x0  }
0x24: {  	s3 =	sadd.s32 $0x88, s3;
	s6 =	simm.s32 @!p1 $0x1082;
	[sflag:s4] =	ssyncset.s32 $0xFFFFF086  }
0x25: {  	[simem:s6], [sflag:s4] =	dma.local [hbm:s3], $0xF7A  }
0x26: {  	[smem:$0x3F91] =	sst s1;
	(tag) =	ssettag s2;
	_ =	strace s9  }
0x27: {  	s1 =	sld [smem:$0x3FA1]  }
0x28: {  	s2 =	sld [smem:$0x3FA2]  }
0x29: {  	s4 =	sld [smem:$0x3FA4]  }
0x2a: {  	p0 =	seq.s32 s5, $0x0;
	s5 =	sld [smem:$0x3FA5]  }
0x2b: {  	s6 =	sld [smem:$0x3FA6]  }
0x2c: {  	s7 =	sld [smem:$0x3FA7]  }
0x2d: {  	s3 =	simm.s32 $0x108;
	s8 =	sld [smem:$0x3FA8]  }
0x2e: {  	s3 =	simm.s32 @!p0 $0x1082;
	s9 =	sld [smem:$0x3FA9]  }
0x2f: {  	lr =	sadd.s32 s0, s3;
	s0 =	sld [smem:$0x3FA0]  }
0x30: {  	s3 =	sld [smem:$0x3FA3]  }
0x31: {  	[smem:$0x3FAC] =	sst s10  }
0x32: {  	s10 =	sld [smem:$0x3FAA];
	_ =	sdelay $0x3  }
0x33: {  	p0 =	seq.s32 s10, $0x1;
	s10 =	sld [smem:$0x3FAC];
	_ =	sdelay $0x3  }
0x34: {  	[smem:$0x3FAC] =	sst s10  }
0x35: {  	s10 =	sld [smem:$0x3FAB];
	_ =	sdelay $0x3  }
0x36: {  	p1 =	seq.s32 s10, $0x1;
	s10 =	sld [smem:$0x3FAC];
	_ =	sdelay $0x3  }
0x37: {  	[smem:$0x3FAC] =	sst s10  }
0x38: {  	s10 =	sld [smem:$0x3FAD]  }
0x39: {  	_ = 	snop;
	(pc) =	sbr.ind lr, $3  }
0x3a: {  	_ = 	snop  }
0x3b: {  	_ = 	snop  }
0x3c: {  	p2 =	seq.s32 s10, $0x1;
	s10 =	sld [smem:$0x3FAC]  }
0x3d: {  	_ =	shalt  }
0x3e: {  	_ =	shalt  }
0x3f: {  	_ =	shalt  }
0x40: {  	_ =	shalt  }
0x41: {  	_ =	shalt  }
0x42: {  	_ =	shalt  }
0x43: {  	_ =	shalt  }
0x44: {  	_ =	shalt  }
0x45: {  	_ =	shalt  }
0x46: {  	_ =	shalt  }
0x47: {  	_ =	shalt  }
0x48: {  	_ =	shalt  }
0x49: {  	_ =	shalt  }
0x4a: {  	_ =	shalt  }
0x4b: {  	_ =	shalt  }
0x4c: {  	_ =	shalt  }
0x4d: {  	_ =	shalt  }
0x4e: {  	_ =	shalt  }
0x4f: {  	_ =	shalt  }
0x50: {  	_ =	shalt  }
0x51: {  	_ =	shalt  }
0x52: {  	_ =	shalt  }
0x53: {  	_ =	shalt  }
0x54: {  	_ =	shalt  }
0x55: {  	_ =	shalt  }
0x56: {  	_ =	shalt  }
0x57: {  	_ =	shalt  }
0x58: {  	_ =	shalt  }
0x59: {  	_ =	shalt  }
0x5a: {  	_ =	shalt  }
0x5b: {  	_ =	shalt  }
0x5c: {  	_ =	shalt  }
0x5d: {  	_ =	shalt  }
0x5e: {  	_ =	shalt  }
0x5f: {  	_ =	shalt  }
0x60: {  	_ =	shalt  }
0x61: {  	_ =	shalt  }
0x62: {  	_ =	shalt  }
0x63: {  	_ =	shalt  }
0x64: {  	_ =	shalt  }
0x65: {  	_ =	shalt  }
0x66: {  	_ =	shalt  }
0x67: {  	_ =	shalt  }
0x68: {  	_ =	shalt  }
0x69: {  	_ =	shalt  }
0x6a: {  	_ =	shalt  }
0x6b: {  	_ =	shalt  }
0x6c: {  	_ =	shalt  }
0x6d: {  	_ =	shalt  }
0x6e: {  	_ =	shalt  }
0x6f: {  	_ =	shalt  }
0x70: {  	_ =	shalt  }
0x71: {  	_ =	shalt  }
0x72: {  	_ =	shalt  }
0x73: {  	_ =	shalt  }
0x74: {  	_ =	shalt  }
0x75: {  	_ =	shalt  }
0x76: {  	_ =	shalt  }
0x77: {  	_ =	shalt  }
0x78: {  	_ =	shalt  }
0x79: {  	_ =	shalt  }
0x7a: {  	_ =	shalt  }
0x7b: {  	_ =	shalt  }
0x7c: {  	_ =	shalt  }
0x7d: {  	_ =	shalt  }
0x7e: {  	_ =	shalt  }
0x7f: {  	_ =	shalt  }
0x80: {  	_ =	shalt  }
0x81: {  	_ =	shalt  }
0x82: {  	_ =	shalt  }
0x83: {  	_ =	shalt  }
0x84: {  	_ =	shalt  }
0x85: {  	_ =	shalt  }
0x86: {  	_ =	shalt  }
0x87: {  	_ =	shalt  }
.Lfunc_end0:
.L_simem_size_0:
called_computation.1_lowered:
.L_overlay_start_0:
0x88: {  	s2 =	sld [smem:$0x3FD9]  }
0x89: {  	s3 =	sld [smem:$0x3FFE];
	_ =	sdelay $0x1  }
0x8a: {  	s1 =	srdreg.scid  }
0x8b: {  	s0 =	sand.u32 $0x1, s1  }
0x8c: {  	s16 =	sshll.u32 s0, $0xA;
	s2 =	sadd.s32 s3, s2  }
0x8d: {  	s2 =	sadd.s32 s2, s16  }
0x8e: {  	[smem:$0x3FB8] =	sst s2  }
0x8f: {  	_ = 	snop  }
0x90: {  	(tm) =	ssettm $0x1  }
0x91: {  	s17 =	sld [smem:$0x3FFB];
	_ =	sdelay $0x3  }
0x92: {  	_ =	strace s17  }
0x93: {  	s2 =	sld [smem:$0x3FFC];
	_ =	sdelay $0x3  }
0x94: {  	_ =	strace s2  }
0x95: {  	s2 =	sld [smem:$0x3FFD];
	_ =	sdelay $0x3  }
0x96: {  	_ =	strace s2  }
0x97: {  	_ =	strace $0x8FFFFFFF  }
0x98: {  	s18 =	sld [smem:$0x3FDB];
	_ =	sdelay $0x1  }
0x99: {  	s19 =	simm.s32 $_scs_section_size  }
0x9a: {  	s4 =	simm.s32 $_size__tile_overlayer_lowered;
	s5 =	simm.s32 $_tile_overlayer_lowered  }
0x9b: {  	s22 =	simm.s32 $0x1BFF;
	s21 =	sshll.u32 s5, $0x1;
	s2 =	sadd.s32 s19, s18  }
0x9c: {  	s6 =	simm.s32 $0x0;
	s20 =	sshll.u32 s4, $0x1;
	s4 =	sadd.s32 s21, s2  }
0x9d: {  	[timem:s6], [sflag:s22] =	dma.local [hbm:s4], s20  }
0x9e: {  	_ =	swait.ge [sflag:s22], s20  }
0x9f: {  	s3 =	ssub.s32 $0x0, s20;
	[sflag:s22] =	ssyncset.done $0x0  }
0xa0: {  	[sflag:s22] =	ssyncadd.s32 s3;
	_ =	sdelay $0x1  }
0xa1: {  	s23 =	simm.s32 $0x1B8B  }
0xa2: {  	_ =	swait.ge [sflag:s23], $0x1  }
0xa3: {  	[sflag:s23] =	ssyncset.done $0x0  }
0xa4: {  	s25 =	simm.s32 $0x1B8E;
	s24 =	sld [smem:$0x3FFE];
	[sflag:s23] =	ssyncadd.s32 $0xFFFFFFFF  }
0xa5: {  	s26 =	simm.s32 $execute0_lowered;
	[smem:$0x3FD2] =	sst s25  }
0xa6: {  	s4 =	sshll.u32 s26, $0x1;
	_ =	strace $0x80000049;
	[dreg:$0x1] =	wrdreg $0xFFFFFFFF  }
0xa7: {  	s28 =	simm.s32 $_size_execute0_lowered;
	s2 =	sadd.s32 s2, s4;
	[dreg:$0x0] =	wrdreg $0x0  }
0xa8: {  	s4 =	sshll.u32 s28, $0x1;
	[dreg:$0x2] =	wrdreg s2  }
0xa9: {  	[dreg:$0x3] =	wrdreg s4  }
0xaa: {  	[dreg:$0x4] =	wrdreg $0xC0  }
0xab: {  	_ =	task [dreg:s6], $0x5FFFF  }
0xac: {  	[dreg:$0x1] =	wrdreg $0xFFFFFFFF  }
0xad: {  	[dreg:$0x0] =	wrdreg $0x60  }
0xae: {  	[dreg:$0x2] =	wrdreg s24  }
0xaf: {  	[dreg:$0x3] =	wrdreg $0x7F000  }
0xb0: {  	[dreg:$0x4] =	wrdreg $0x9  }
0xb1: {  	_ =	task.clear_ibuf [dreg:s6], $0x5FFFF;
	_ =	strace $0x90000049  }
0xb2: {  	s29 =	simm.s32 $0x9;
	_ =	strace $0x8000004B  }
0xb3: {  	_ =	swait.ge [sflag:s29], $0x1  }
0xb4: {  	[sflag:s29] =	ssyncadd.s32 $0xFFFFFFFF  }
0xb5: {  	_ =	strace $0x9000004B  }
0xb6: {  	_ =	sfence  }
0xb7: {  	s30 =	sld [smem:$0x0];
	_ =	sdelay $0x2  }
0xb8: {  	s31 =	sshll.u32 s1, $0xD;
	s1 =	sshrl.u32 s1, $0x2  }
0xb9: {  	s3 =	sand.u32 $0x4000, s31;
	s1 =	sadd.s32 s1, s30  }
0xba: {  	s0 =	sor.u32 s3, s0;
	s1 =	sshll.u32 s1, $0x11  }
0xbb: {  	s0 =	sor.u32 s1, s0  }
0xbc: {  	s0 =	sadd.s32 $0x8F2B, s0  }
0xbd: {  	[sflag:s0] =	ssyncadd.remote.s32 $0x1  }
0xbe: {  	_ =	sfence.sel $0xFFFF  }
0xbf: {  	[dreg:$0x0] =	wrdreg $0xFFFFFFFF;
	(pc) =	sbr.abs _section_cstart, $3  }
0xc0: {  	[dreg:$0x1] =	wrdreg $0xFFFFFFFF  }
0xc1: {  	_ =	task.clear_ibuf [dreg:s6], $0x2FFFF;
	_ =	strace $0x9FFFFFFF  }
0xc2: {  	(tm) =	ssettm $0x7FFFFFFF  }
0xc3: {  	_ =	shalt  }
tec
execute0_lowered:
.L_overlay_start_1:
0x0: {  	(tag) =	ssettag $0x1  }
0x1: {  	s0 =	srdreg.scid;
	s4 =	rddreg [dreg:$0x0]  }
0x2: {  	s1 =	rddreg [dreg:$0x1];
	s13 =	stileid.u32  }
0x3: {  	s2 =	simm.s32 $0x0;
	s10 =	simm.s32 $0x2;
	s11 =	simm.s32 $0x2780  }
0x4: {  	s12 =	simm.s32 $0x80;
	s5 =	sand.u32 $0x1, s0;
	s0 =	rddreg [dreg:$0x2]  }
0x5: {  	s14 =	simm.s32 $0x1;
	[smem:$0x7FF] =	sst s2;
	s7 =	smul.u32 $0xA000, s13  }
0x6: {  	p0 =	sne.s32 s13, $0x0;
	s3 =	sshll.u32 s5, $0x4;
	_ =	strace $0x8000004A  }
0x7: {  	s8 =	smul.u32 $0x5000, s5;
	s5 =	ssub.s32 $0x2, s5;
	s3 =	sor.u32 s13, s3  }
0x8: {  	s15 =	sshrl.u32 @!p0 s1, $0x3;
	s9 =	sshrl.u32 s5, $0x1;
	s6 =	smul.u32 $0x4F0, s3  }
0x9: {  	s7 =	sshrl.u32 s7, $0x2;
	s13 =	simm.s32 $0x4F00;
	s3 =	sadd.s32 $0xC800, s4  }
0xa: {  	s8 =	sadd.s32 s8, s4;
	s9 =	ssub.s32 s5, s9;
	s6 =	sadd.s32 s6, s4  }
0xb: {  	s4 =	sadd.s32 s7, s1;
	s7 =	sadd.s32 $0x47800, s8;
	s8 =	smax.u32 s9, $0x1  }
0xc: {  	v0 =	vimm.f32 $0.0e+00;
	s9 =	simm.s32 $0x5700;
	s5 =	sadd.s32 $0x16800, s6;
	s6 =	sadd.s32 $0x2A00, s6  }
.LBB2_1:
0xd: {  	s16 =	simm.s32 $0x40;
	s17 =	simm.s32 $0x0  }
.LBB2_2:
0xe: {  	p1 =	sne.s32 s16, $0x9FC0;
	[tilespmem:s17+$0x5700] =	vst v0;
	s17 =	smov.u32 s16;
	s16 =	sadd.s32 $0x40, s16  }
.Ltmp0:
0xf: {  	(pc) =	sbr.rel @p1 .LBB2_2-.Ltmp0, $2  }
0x10: {  	_ =	sdelay $0x2  }
0x11: {  	s17 =	sshra.s32 s17, $0x2  }
0x12: {  	[tilespmem:s17+$0x5700] =	vst v0  }
0x13: {  	[spmem:s4] =	stream.linear.scatter [tilespmem:s9], [sflag:$0x2], $0x2800, $0x38;
	[tilespmem:$0xA700] =	vst v63  }
0x14: {  	_ =	swait.ge [sflag:s10], $0x2800  }
0x15: {  	[sflag:s10] =	ssyncset.done $0x0  }
0x16: {  	s16 =	simm.s32 $0x0;
	[sflag:s10] =	ssyncadd.s32 $0xFFFFD800  }
0x17: {  	[tilespmem:s16], [sflag:$0x2] =	stream.linear.gather [hbm4b:s5+s16], $0x2780, $0x38;
	[tilespmem:$0xA700] =	vst v63  }
0x18: {  	_ =	swait.ge [sflag:s10], $0x2780  }
0x19: {  	[sflag:s10] =	ssyncset.done $0x0  }
0x1a: {  	[sflag:s10] =	ssyncadd.s32 $0xFFFFD880  }
0x1b: {  	[tilespmem:s11], [sflag:$0x2] =	stream.linear.gather [hbm4b:s6+s16], $0x2780, $0x38;
	[tilespmem:$0xA700] =	vst v63  }
0x1c: {  	_ =	swait.ge [sflag:s10], $0x2780  }
0x1d: {  	[sflag:s10] =	ssyncset.done $0x0  }
0x1e: {  	[sflag:s10] =	ssyncadd.s32 $0xFFFFD880  }
0x1f: {  	s30 =	simm.s32 $0x0;
	[bflag:$0x0] =	sbarrier.arrive $0xFFFF  }
0x20: {  	[tilespmem:s13], [sflag:$0x1] =	stream.indirect.gather [hbm4b:s3+s12], $0x10, s30, s12, $0xb8;
	[tilespmem:$0xA700] =	vst v63  }
0x21: {  	_ =	swait.ge [sflag:s14], $0x800  }
0x22: {  	[sflag:s14] =	ssyncset.done $0x0  }
0x23: {  	s31 =	simm.s32 $0x2780;
	[sflag:s14] =	ssyncadd.s32 $0xFFFFF800  }
0x24: {  	[spmem:s1] =	stream.indirect.scatter.add.f32 [tilespmem:s13], [sflag:$0x2], $0x10, s31, s12, $0xb8;
	[tilespmem:$0xA700] =	vst v63  }
0x25: {  	_ =	swait.ge [sflag:s10], $0x800  }
0x26: {  	s17 =	simm.s32 $0x400;
	s16 =	simm.s32 $0x200;
	[sflag:s10] =	ssyncset.done $0x0  }
.LBB2_4:
0x27: {  	s18 =	sshra.s32 s16, $0x2  }
0x28: {  	[sflag:s10] =	ssyncadd.s32 $0xFFFFF800;
	s16 =	smov.u32 s17;
	s19 =	sadd.s32 $0x200, s17  }
0x29: {  	[tilespmem:s13], [sflag:$0x1] =	stream.indirect.gather [hbm4b:s3+s12], $0x10, s18, s12, $0xb8;
	[tilespmem:$0xA700] =	vst v63  }
0x2a: {  	p1 =	sne.s32 s17, $0x9C00;
	_ =	swait.ge [sflag:s14], $0x800  }
.Ltmp1:
0x2b: {  	[sflag:s14] =	ssyncset.done $0x0;
	(pc) =	sbr.rel @p1 .LBB2_4-.Ltmp1, $4  }
0x2c: {  	s17 =	sadd.s32 $0x2780, s18;
	[sflag:s14] =	ssyncadd.s32 $0xFFFFF800  }
0x2d: {  	[spmem:s1] =	stream.indirect.scatter.add.f32 [tilespmem:s13], [sflag:$0x2], $0x10, s17, s12, $0xb8;
	[tilespmem:$0xA700] =	vst v63  }
0x2e: {  	_ =	swait.ge [sflag:s10], $0x800  }
0x2f: {  	s17 =	smov.u32 s19;
	[sflag:s10] =	ssyncset.done $0x0  }
0x30: {  	s16 =	sshra.s32 s16, $0x2;
	[sflag:s10] =	ssyncadd.s32 $0xFFFFF800  }
0x31: {  	[tilespmem:s13], [sflag:$0x1] =	stream.indirect.gather [hbm4b:s3+s12], $0x10, s16, s12, $0xb8;
	[tilespmem:$0xA700] =	vst v63  }
0x32: {  	_ =	swait.ge [sflag:s14], $0x800  }
0x33: {  	[sflag:s14] =	ssyncset.done $0x0  }
0x34: {  	s16 =	sadd.s32 $0x2780, s16;
	[sflag:s14] =	ssyncadd.s32 $0xFFFFF800  }
0x35: {  	[spmem:s1] =	stream.indirect.scatter.add.f32 [tilespmem:s13], [sflag:$0x2], $0x10, s16, s12, $0xb8;
	[tilespmem:$0xA700] =	vst v63  }
0x36: {  	_ =	swait.ge [sflag:s10], $0x800  }
0x37: {  	[sflag:s10] =	ssyncset.done $0x0  }
0x38: {  	s2 =	sadd.s32 $0x1, s2;
	[sflag:s10] =	ssyncadd.s32 $0xFFFFF800  }
0x39: {  	p1 =	sne.s32 s2, s8;
	s16 =	simm.s32 @!p0 $0x1C02;
	[bflag:$0x0] =	sbarrier.arrive $0xFFFF  }
0x3a: {  	[hbm:s7], [sflag:s16] =	dma.local @!p0 [spmem:s15], $0x5000  }
.Ltmp2:
0x3b: {  	_ = 	snop;
	(pc) =	sbr.rel @p1 .LBB2_1-.Ltmp2, $4  }
0x3c: {  	s16 =	simm.s32 @!p0 $0x2  }
0x3d: {  	_ =	swait.ge @!p0 [sflag:s16], $0x5000  }
0x3e: {  	[sflag:s16] =	ssyncset.done @!p0 $0x0  }
0x3f: {  	[sflag:s16] =	ssyncadd.s32 @!p0 $0xFFFFB000  }
0x40: {  	_ =	sfence.sel $0x180000  }
0x41: {  	[bflag:$0x0] =	sbarrier.arrive $0xFFFF  }
0x42: {  	_ =	strace $0x9000004A  }
0x43: {  	s0 =	sadd.s32 @!p0 $0x100000, s0;
	[bflag:$0x2] =	sbarrier.arrive $0xFFFF  }
0x44: {  	[sflag:s0] =	ssyncadd.tile.s32 @!p0 $0x1;
	_ =	shalt  }
.Lfunc_end2:
_tile_overlayer_lowered:
.L_overlay_start_2:
0x45: {  	(tag) =	ssettag $0x2  }
0x46: {  	s0 =	rddreg [dreg:$0x0];
	s2 =	stileid.u32  }
0x47: {  	s1 =	rddreg [dreg:$0x1];
	p0 =	sne.s32 s2, $0x0  }
0x48: {  	s3 =	rddreg [dreg:$0x2];
	[bflag:$0x3] =	sbarrier.arrive $0xFFFF;
	s2 =	simm.s32 @!p0 $0x1C02  }
0x49: {  	[timem:s3], [sflag:s2] =	dma.local @!p0 [hbm:s0], s1  }
0x4a: {  	s0 =	simm.s32 @!p0 $0x2  }
0x4b: {  	_ =	swait.ge @!p0 [sflag:s0], s1  }
0x4c: {  	s1 =	ssub.s32 @!p0 $0x0, s1;
	[sflag:s0] =	ssyncset.done @!p0 $0x0  }
0x4d: {  	[sflag:s0] =	ssyncadd.s32 @!p0 s1  }
0x4e: {  	[bflag:$0x3] =	sbarrier.arrive $0xFFFF  }
0x4f: {  	_ =	shalt  }

// kernel: kernel.14.cloned.1.call-start
scs
__scs_entry_jumppad:
0x0: {  	(pc) =	sbr.rel $0x88, $3  }
0x1: {  	(tag) =	ssettag $0x0;
	lr =	simm.s32 $0x1  }
0x2: {  	[smem:$0x3F91] =	sst lr;
	_ =	strace $0xD0000000  }
0x3: {  	_ = 	snop  }
0x4: {  	_ = 	snop  }
0x5: {  	_ = 	snop  }
0x6: {  	_ = 	snop  }
0x7: {  	_ = 	snop  }
__scs_overlays_trampoline_lowered:
0x8: {  	[smem:$0x3FA0] =	sst s0  }
0x9: {  	[smem:$0x3FA1] =	sst s1  }
0xa: {  	[smem:$0x3FA2] =	sst s2  }
0xb: {  	[smem:$0x3FA3] =	sst s3  }
0xc: {  	[smem:$0x3FA4] =	sst s4  }
0xd: {  	[smem:$0x3FA5] =	sst s5  }
0xe: {  	[smem:$0x3FA6] =	sst s6  }
0xf: {  	[smem:$0x3FA7] =	sst s7  }
0x10: {  	[smem:$0x3FA8] =	sst s8  }
0x11: {  	[smem:$0x3FA9] =	sst s9;
	s0 =	simm.s32 @!p0 $0x0  }
0x12: {  	s1 =	sld [smem:$0x3F8F];
	s0 =	simm.s32 @p0 $0x1  }
0x13: {  	[smem:$0x3FAA] =	sst s0;
	s0 =	simm.s32 @!p1 $0x0  }
0x14: {  	s2 =	sld [smem:$0x3F8E];
	s0 =	simm.s32 @p1 $0x1  }
0x15: {  	[smem:$0x3FAB] =	sst s0;
	s0 =	simm.s32 @!p2 $0x0  }
0x16: {  	s3 =	sld [smem:$0x3FDB];
	s0 =	simm.s32 @p2 $0x1  }
0x17: {  	s4 =	simm.s32 $0x1BF5;
	[smem:$0x3FAD] =	sst s0  }
0x18: {  	s0 =	sld [smem:$0x3F90];
	_ =	swait.ge [sflag:s4], $0x0  }
0x19: {  	s7 =	sld [smem:$0x3F91]  }
0x1a: {  	s8 =	sadd.s32 $0xFFFFE003, lr  }
0x1b: {  	s9 =	sadd.s32 $0xFFFFFEF7, lr;
	s5 =	simm.s32 $0xFFFFFFFF;
	p2 =	slt.u32 s8, $0xFFFFF086  }
0x1c: {  	p1 =	slt.u32 s9, $0xF7A;
	s5 =	simm.s32 @!p2 $0x0  }
0x1d: {  	s5 =	simm.s32 @p1 $0x1;
	p0 =	seq.s32 s7, s2  }
0x1e: {  	s7 =	smul.u32 @!p0 $0xF7A, s2;
	p2 =	seq.s32 @!p0 s5, $0x0  }
0x1f: {  	s9 =	smul.u32 $0xF7A, s1;
	s8 =	simm.s32 @!p0 $0x1BF5;
	p2 =	por !p2, p0  }
0x20: {  	[sflag:s8] =	ssyncset.s32 @!p0 $0xFFFFF086;
	s6 =	sadd.s32 @!p0 s3, s7;
	s7 =	simm.s32 @!p0 $0x108  }
0x21: {  	s3 =	sadd.s32 s3, s9;
	s6 =	sadd.s32 @!p0 $0x88, s6;
	s7 =	simm.s32 @p2 $0x1082  }
0x22: {  	[simem:s7], [sflag:s8] =	dma.local @!p0 [hbm:s6], $0xF7A  }
0x23: {  	s9 =	sor.u32 $0xD0000000, s2;
	s6 =	simm.s32 $0x108;
	_ =	swait.ge @!p0 [sflag:s8], $0x0  }
0x24: {  	s3 =	sadd.s32 $0x88, s3;
	s6 =	simm.s32 @!p1 $0x1082;
	[sflag:s4] =	ssyncset.s32 $0xFFFFF086  }
0x25: {  	[simem:s6], [sflag:s4] =	dma.local [hbm:s3], $0xF7A  }
0x26: {  	[smem:$0x3F91] =	sst s1;
	(tag) =	ssettag s2;
	_ =	strace s9  }
0x27: {  	s1 =	sld [smem:$0x3FA1]  }
0x28: {  	s2 =	sld [smem:$0x3FA2]  }
0x29: {  	s4 =	sld [smem:$0x3FA4]  }
0x2a: {  	p0 =	seq.s32 s5, $0x0;
	s5 =	sld [smem:$0x3FA5]  }
0x2b: {  	s6 =	sld [smem:$0x3FA6]  }
0x2c: {  	s7 =	sld [smem:$0x3FA7]  }
0x2d: {  	s3 =	simm.s32 $0x108;
	s8 =	sld [smem:$0x3FA8]  }
0x2e: {  	s3 =	simm.s32 @!p0 $0x1082;
	s9 =	sld [smem:$0x3FA9]  }
0x2f: {  	lr =	sadd.s32 s0, s3;
	s0 =	sld [smem:$0x3FA0]  }
0x30: {  	s3 =	sld [smem:$0x3FA3]  }
0x31: {  	[smem:$0x3FAC] =	sst s10  }
0x32: {  	s10 =	sld [smem:$0x3FAA];
	_ =	sdelay $0x3  }
0x33: {  	p0 =	seq.s32 s10, $0x1;
	s10 =	sld [smem:$0x3FAC];
	_ =	sdelay $0x3  }
0x34: {  	[smem:$0x3FAC] =	sst s10  }
0x35: {  	s10 =	sld [smem:$0x3FAB];
	_ =	sdelay $0x3  }
0x36: {  	p1 =	seq.s32 s10, $0x1;
	s10 =	sld [smem:$0x3FAC];
	_ =	sdelay $0x3  }
0x37: {  	[smem:$0x3FAC] =	sst s10  }
0x38: {  	s10 =	sld [smem:$0x3FAD]  }
0x39: {  	_ = 	snop;
	(pc) =	sbr.ind lr, $3  }
0x3a: {  	_ = 	snop  }
0x3b: {  	_ = 	snop  }
0x3c: {  	p2 =	seq.s32 s10, $0x1;
	s10 =	sld [smem:$0x3FAC]  }
0x3d: {  	_ =	shalt  }
0x3e: {  	_ =	shalt  }
0x3f: {  	_ =	shalt  }
0x40: {  	_ =	shalt  }
0x41: {  	_ =	shalt  }
0x42: {  	_ =	shalt  }
0x43: {  	_ =	shalt  }
0x44: {  	_ =	shalt  }
0x45: {  	_ =	shalt  }
0x46: {  	_ =	shalt  }
0x47: {  	_ =	shalt  }
0x48: {  	_ =	shalt  }
0x49: {  	_ =	shalt  }
0x4a: {  	_ =	shalt  }
0x4b: {  	_ =	shalt  }
0x4c: {  	_ =	shalt  }
0x4d: {  	_ =	shalt  }
0x4e: {  	_ =	shalt  }
0x4f: {  	_ =	shalt  }
0x50: {  	_ =	shalt  }
0x51: {  	_ =	shalt  }
0x52: {  	_ =	shalt  }
0x53: {  	_ =	shalt  }
0x54: {  	_ =	shalt  }
0x55: {  	_ =	shalt  }
0x56: {  	_ =	shalt  }
0x57: {  	_ =	shalt  }
0x58: {  	_ =	shalt  }
0x59: {  	_ =	shalt  }
0x5a: {  	_ =	shalt  }
0x5b: {  	_ =	shalt  }
0x5c: {  	_ =	shalt  }
0x5d: {  	_ =	shalt  }
0x5e: {  	_ =	shalt  }
0x5f: {  	_ =	shalt  }
0x60: {  	_ =	shalt  }
0x61: {  	_ =	shalt  }
0x62: {  	_ =	shalt  }
0x63: {  	_ =	shalt  }
0x64: {  	_ =	shalt  }
0x65: {  	_ =	shalt  }
0x66: {  	_ =	shalt  }
0x67: {  	_ =	shalt  }
0x68: {  	_ =	shalt  }
0x69: {  	_ =	shalt  }
0x6a: {  	_ =	shalt  }
0x6b: {  	_ =	shalt  }
0x6c: {  	_ =	shalt  }
0x6d: {  	_ =	shalt  }
0x6e: {  	_ =	shalt  }
0x6f: {  	_ =	shalt  }
0x70: {  	_ =	shalt  }
0x71: {  	_ =	shalt  }
0x72: {  	_ =	shalt  }
0x73: {  	_ =	shalt  }
0x74: {  	_ =	shalt  }
0x75: {  	_ =	shalt  }
0x76: {  	_ =	shalt  }
0x77: {  	_ =	shalt  }
0x78: {  	_ =	shalt  }
0x79: {  	_ =	shalt  }
0x7a: {  	_ =	shalt  }
0x7b: {  	_ =	shalt  }
0x7c: {  	_ =	shalt  }
0x7d: {  	_ =	shalt  }
0x7e: {  	_ =	shalt  }
0x7f: {  	_ =	shalt  }
0x80: {  	_ =	shalt  }
0x81: {  	_ =	shalt  }
0x82: {  	_ =	shalt  }
0x83: {  	_ =	shalt  }
0x84: {  	_ =	shalt  }
0x85: {  	_ =	shalt  }
0x86: {  	_ =	shalt  }
0x87: {  	_ =	shalt  }
.Lfunc_end0:
.L_simem_size_0:
called_computation.2_lowered:
.L_overlay_start_0:
0x88: {  	s2 =	sld [smem:$0x3FD9]  }
0x89: {  	s3 =	sld [smem:$0x3FFE];
	_ =	sdelay $0x1  }
0x8a: {  	s1 =	srdreg.scid  }
0x8b: {  	s0 =	sand.u32 $0x1, s1  }
0x8c: {  	s16 =	sshll.u32 s0, $0xA;
	s2 =	sadd.s32 s3, s2  }
0x8d: {  	s2 =	sadd.s32 s2, s16  }
0x8e: {  	[smem:$0x3FB8] =	sst s2  }
0x8f: {  	_ = 	snop  }
0x90: {  	(tm) =	ssettm $0x1  }
0x91: {  	s17 =	sld [smem:$0x3FFB];
	_ =	sdelay $0x3  }
0x92: {  	_ =	strace s17  }
0x93: {  	s2 =	sld [smem:$0x3FFC];
	_ =	sdelay $0x3  }
0x94: {  	_ =	strace s2  }
0x95: {  	s2 =	sld [smem:$0x3FFD];
	_ =	sdelay $0x3  }
0x96: {  	_ =	strace s2  }
0x97: {  	_ =	strace $0x8FFFFFFF  }
0x98: {  	s18 =	sld [smem:$0x3FDB];
	_ =	sdelay $0x1  }
0x99: {  	s19 =	simm.s32 $_scs_section_size  }
0x9a: {  	s4 =	simm.s32 $_size__tile_overlayer_lowered;
	s5 =	simm.s32 $_tile_overlayer_lowered  }
0x9b: {  	s22 =	simm.s32 $0x1BFF;
	s21 =	sshll.u32 s5, $0x1;
	s2 =	sadd.s32 s19, s18  }
0x9c: {  	s6 =	simm.s32 $0x0;
	s20 =	sshll.u32 s4, $0x1;
	s4 =	sadd.s32 s21, s2  }
0x9d: {  	[timem:s6], [sflag:s22] =	dma.local [hbm:s4], s20  }
0x9e: {  	_ =	swait.ge [sflag:s22], s20  }
0x9f: {  	s3 =	ssub.s32 $0x0, s20;
	[sflag:s22] =	ssyncset.done $0x0  }
0xa0: {  	[sflag:s22] =	ssyncadd.s32 s3;
	_ =	sdelay $0x1  }
0xa1: {  	s23 =	simm.s32 $0x1B8B  }
0xa2: {  	_ =	swait.ge [sflag:s23], $0x1  }
0xa3: {  	[sflag:s23] =	ssyncset.done $0x0  }
0xa4: {  	s25 =	simm.s32 $0x1B8E;
	s24 =	sld [smem:$0x3FFE];
	[sflag:s23] =	ssyncadd.s32 $0xFFFFFFFF  }
0xa5: {  	s26 =	simm.s32 $execute0_lowered;
	[smem:$0x3FD2] =	sst s25  }
0xa6: {  	s4 =	sshll.u32 s26, $0x1;
	_ =	strace $0x8000004C;
	[dreg:$0x1] =	wrdreg $0xFFFFFFFF  }
0xa7: {  	s28 =	simm.s32 $_size_execute0_lowered;
	s2 =	sadd.s32 s2, s4;
	[dreg:$0x0] =	wrdreg $0x0  }
0xa8: {  	s4 =	sshll.u32 s28, $0x1;
	[dreg:$0x2] =	wrdreg s2  }
0xa9: {  	[dreg:$0x3] =	wrdreg s4  }
0xaa: {  	[dreg:$0x4] =	wrdreg $0xC0  }
0xab: {  	_ =	task [dreg:s6], $0x5FFFF  }
0xac: {  	[dreg:$0x1] =	wrdreg $0xFFFFFFFF  }
0xad: {  	[dreg:$0x0] =	wrdreg $0x60  }
0xae: {  	[dreg:$0x2] =	wrdreg s24  }
0xaf: {  	[dreg:$0x3] =	wrdreg $0x7F000  }
0xb0: {  	[dreg:$0x4] =	wrdreg $0x9  }
0xb1: {  	_ =	task.clear_ibuf [dreg:s6], $0x5FFFF;
	_ =	strace $0x9000004C  }
0xb2: {  	s29 =	simm.s32 $0x9;
	_ =	strace $0x8000004E  }
0xb3: {  	_ =	swait.ge [sflag:s29], $0x1  }
0xb4: {  	[sflag:s29] =	ssyncadd.s32 $0xFFFFFFFF  }
0xb5: {  	_ =	strace $0x9000004E  }
0xb6: {  	_ =	sfence  }
0xb7: {  	s30 =	sld [smem:$0x0];
	_ =	sdelay $0x2  }
0xb8: {  	s31 =	sshll.u32 s1, $0xD;
	s1 =	sshrl.u32 s1, $0x2  }
0xb9: {  	s3 =	sand.u32 $0x4000, s31;
	s1 =	sadd.s32 s1, s30  }
0xba: {  	s0 =	sor.u32 s3, s0;
	s1 =	sshll.u32 s1, $0x11  }
0xbb: {  	s0 =	sor.u32 s1, s0  }
0xbc: {  	s0 =	sadd.s32 $0x8F2B, s0  }
0xbd: {  	[sflag:s0] =	ssyncadd.remote.s32 $0x1  }
0xbe: {  	_ =	sfence.sel $0xFFFF  }
0xbf: {  	[dreg:$0x0] =	wrdreg $0xFFFFFFFF;
	(pc) =	sbr.abs _section_cstart, $3  }
0xc0: {  	[dreg:$0x1] =	wrdreg $0xFFFFFFFF  }
0xc1: {  	_ =	task.clear_ibuf [dreg:s6], $0x2FFFF;
	_ =	strace $0x9FFFFFFF  }
0xc2: {  	(tm) =	ssettm $0x7FFFFFFF  }
0xc3: {  	_ =	shalt  }
tec
execute0_lowered:
.L_overlay_start_1:
0x0: {  	(tag) =	ssettag $0x1  }
0x1: {  	s0 =	srdreg.scid;
	s4 =	rddreg [dreg:$0x0]  }
0x2: {  	s1 =	rddreg [dreg:$0x1];
	s13 =	stileid.u32  }
0x3: {  	s2 =	simm.s32 $0x0;
	s10 =	simm.s32 $0x2;
	s11 =	simm.s32 $0x2780  }
0x4: {  	s12 =	simm.s32 $0x80;
	s5 =	sand.u32 $0x1, s0;
	s0 =	rddreg [dreg:$0x2]  }
0x5: {  	s14 =	simm.s32 $0x1;
	[smem:$0x7FF] =	sst s2;
	s7 =	smul.u32 $0xA000, s13  }
0x6: {  	p0 =	sne.s32 s13, $0x0;
	s3 =	sshll.u32 s5, $0x4;
	_ =	strace $0x8000004D  }
0x7: {  	s8 =	smul.u32 $0x5000, s5;
	s5 =	ssub.s32 $0x2, s5;
	s3 =	sor.u32 s13, s3  }
0x8: {  	s15 =	sshrl.u32 @!p0 s1, $0x3;
	s9 =	sshrl.u32 s5, $0x1;
	s6 =	smul.u32 $0x4F0, s3  }
0x9: {  	s7 =	sshrl.u32 s7, $0x2;
	s13 =	simm.s32 $0x4F00;
	s3 =	sadd.s32 $0xC800, s4  }
0xa: {  	s8 =	sadd.s32 s8, s4;
	s9 =	ssub.s32 s5, s9;
	s6 =	sadd.s32 s6, s4  }
0xb: {  	s4 =	sadd.s32 s7, s1;
	s7 =	sadd.s32 $0x47800, s8;
	s8 =	smax.u32 s9, $0x1  }
0xc: {  	v0 =	vimm.f32 $0.0e+00;
	s9 =	simm.s32 $0x5700;
	s5 =	sadd.s32 $0x16800, s6;
	s6 =	sadd.s32 $0x2A00, s6  }
.LBB2_1:
0xd: {  	s16 =	simm.s32 $0x40;
	s17 =	simm.s32 $0x0  }
.LBB2_2:
0xe: {  	p1 =	sne.s32 s16, $0x9FC0;
	[tilespmem:s17+$0x5700] =	vst v0;
	s17 =	smov.u32 s16;
	s16 =	sadd.s32 $0x40, s16  }
.Ltmp0:
0xf: {  	(pc) =	sbr.rel @p1 .LBB2_2-.Ltmp0, $2  }
0x10: {  	_ =	sdelay $0x2  }
0x11: {  	s17 =	sshra.s32 s17, $0x2  }
0x12: {  	[tilespmem:s17+$0x5700] =	vst v0  }
0x13: {  	[spmem:s4] =	stream.linear.scatter [tilespmem:s9], [sflag:$0x2], $0x2800, $0x38;
	[tilespmem:$0xA700] =	vst v63  }
0x14: {  	_ =	swait.ge [sflag:s10], $0x2800  }
0x15: {  	[sflag:s10] =	ssyncset.done $0x0  }
0x16: {  	s16 =	simm.s32 $0x0;
	[sflag:s10] =	ssyncadd.s32 $0xFFFFD800  }
0x17: {  	[tilespmem:s16], [sflag:$0x2] =	stream.linear.gather [hbm4b:s5+s16], $0x2780, $0x38;
	[tilespmem:$0xA700] =	vst v63  }
0x18: {  	_ =	swait.ge [sflag:s10], $0x2780  }
0x19: {  	[sflag:s10] =	ssyncset.done $0x0  }
0x1a: {  	[sflag:s10] =	ssyncadd.s32 $0xFFFFD880  }
0x1b: {  	[tilespmem:s11], [sflag:$0x2] =	stream.linear.gather [hbm4b:s6+s16], $0x2780, $0x38;
	[tilespmem:$0xA700] =	vst v63  }
0x1c: {  	_ =	swait.ge [sflag:s10], $0x2780  }
0x1d: {  	[sflag:s10] =	ssyncset.done $0x0  }
0x1e: {  	[sflag:s10] =	ssyncadd.s32 $0xFFFFD880  }
0x1f: {  	s30 =	simm.s32 $0x0;
	[bflag:$0x0] =	sbarrier.arrive $0xFFFF  }
0x20: {  	[tilespmem:s13], [sflag:$0x1] =	stream.indirect.gather [hbm4b:s3+s12], $0x10, s30, s12, $0xb8;
	[tilespmem:$0xA700] =	vst v63  }
0x21: {  	_ =	swait.ge [sflag:s14], $0x800  }
0x22: {  	[sflag:s14] =	ssyncset.done $0x0  }
0x23: {  	s31 =	simm.s32 $0x2780;
	[sflag:s14] =	ssyncadd.s32 $0xFFFFF800  }
0x24: {  	[spmem:s1] =	stream.indirect.scatter.add.f32 [tilespmem:s13], [sflag:$0x2], $0x10, s31, s12, $0xb8;
	[tilespmem:$0xA700] =	vst v63  }
0x25: {  	_ =	swait.ge [sflag:s10], $0x800  }
0x26: {  	s17 =	simm.s32 $0x400;
	s16 =	simm.s32 $0x200;
	[sflag:s10] =	ssyncset.done $0x0  }
.LBB2_4:
0x27: {  	s18 =	sshra.s32 s16, $0x2  }
0x28: {  	[sflag:s10] =	ssyncadd.s32 $0xFFFFF800;
	s16 =	smov.u32 s17;
	s19 =	sadd.s32 $0x200, s17  }
0x29: {  	[tilespmem:s13], [sflag:$0x1] =	stream.indirect.gather [hbm4b:s3+s12], $0x10, s18, s12, $0xb8;
	[tilespmem:$0xA700] =	vst v63  }
0x2a: {  	p1 =	sne.s32 s17, $0x9C00;
	_ =	swait.ge [sflag:s14], $0x800  }
.Ltmp1:
0x2b: {  	[sflag:s14] =	ssyncset.done $0x0;
	(pc) =	sbr.rel @p1 .LBB2_4-.Ltmp1, $4  }
0x2c: {  	s17 =	sadd.s32 $0x2780, s18;
	[sflag:s14] =	ssyncadd.s32 $0xFFFFF800  }
0x2d: {  	[spmem:s1] =	stream.indirect.scatter.add.f32 [tilespmem:s13], [sflag:$0x2], $0x10, s17, s12, $0xb8;
	[tilespmem:$0xA700] =	vst v63  }
0x2e: {  	_ =	swait.ge [sflag:s10], $0x800  }
0x2f: {  	s17 =	smov.u32 s19;
	[sflag:s10] =	ssyncset.done $0x0  }
0x30: {  	s16 =	sshra.s32 s16, $0x2;
	[sflag:s10] =	ssyncadd.s32 $0xFFFFF800  }
0x31: {  	[tilespmem:s13], [sflag:$0x1] =	stream.indirect.gather [hbm4b:s3+s12], $0x10, s16, s12, $0xb8;
	[tilespmem:$0xA700] =	vst v63  }
0x32: {  	_ =	swait.ge [sflag:s14], $0x800  }
0x33: {  	[sflag:s14] =	ssyncset.done $0x0  }
0x34: {  	s16 =	sadd.s32 $0x2780, s16;
	[sflag:s14] =	ssyncadd.s32 $0xFFFFF800  }
0x35: {  	[spmem:s1] =	stream.indirect.scatter.add.f32 [tilespmem:s13], [sflag:$0x2], $0x10, s16, s12, $0xb8;
	[tilespmem:$0xA700] =	vst v63  }
0x36: {  	_ =	swait.ge [sflag:s10], $0x800  }
0x37: {  	[sflag:s10] =	ssyncset.done $0x0  }
0x38: {  	s2 =	sadd.s32 $0x1, s2;
	[sflag:s10] =	ssyncadd.s32 $0xFFFFF800  }
0x39: {  	p1 =	sne.s32 s2, s8;
	s16 =	simm.s32 @!p0 $0x1C02;
	[bflag:$0x0] =	sbarrier.arrive $0xFFFF  }
0x3a: {  	[hbm:s7], [sflag:s16] =	dma.local @!p0 [spmem:s15], $0x5000  }
.Ltmp2:
0x3b: {  	_ = 	snop;
	(pc) =	sbr.rel @p1 .LBB2_1-.Ltmp2, $4  }
0x3c: {  	s16 =	simm.s32 @!p0 $0x2  }
0x3d: {  	_ =	swait.ge @!p0 [sflag:s16], $0x5000  }
0x3e: {  	[sflag:s16] =	ssyncset.done @!p0 $0x0  }
0x3f: {  	[sflag:s16] =	ssyncadd.s32 @!p0 $0xFFFFB000  }
0x40: {  	_ =	sfence.sel $0x180000  }
0x41: {  	[bflag:$0x0] =	sbarrier.arrive $0xFFFF  }
0x42: {  	_ =	strace $0x9000004D  }
0x43: {  	s0 =	sadd.s32 @!p0 $0x100000, s0;
	[bflag:$0x2] =	sbarrier.arrive $0xFFFF  }
0x44: {  	[sflag:s0] =	ssyncadd.tile.s32 @!p0 $0x1;
	_ =	shalt  }
.Lfunc_end2:
_tile_overlayer_lowered:
.L_overlay_start_2:
0x45: {  	(tag) =	ssettag $0x2  }
0x46: {  	s0 =	rddreg [dreg:$0x0];
	s2 =	stileid.u32  }
0x47: {  	s1 =	rddreg [dreg:$0x1];
	p0 =	sne.s32 s2, $0x0  }
0x48: {  	s3 =	rddreg [dreg:$0x2];
	[bflag:$0x3] =	sbarrier.arrive $0xFFFF;
	s2 =	simm.s32 @!p0 $0x1C02  }
0x49: {  	[timem:s3], [sflag:s2] =	dma.local @!p0 [hbm:s0], s1  }
0x4a: {  	s0 =	simm.s32 @!p0 $0x2  }
0x4b: {  	_ =	swait.ge @!p0 [sflag:s0], s1  }
0x4c: {  	s1 =	ssub.s32 @!p0 $0x0, s1;
	[sflag:s0] =	ssyncset.done @!p0 $0x0  }
0x4d: {  	[sflag:s0] =	ssyncadd.s32 @!p0 s1  }
0x4e: {  	[bflag:$0x3] =	sbarrier.arrive $0xFFFF  }
0x4f: {  	_ =	shalt  }

// kernel: kernel.8.cloned.1.call-start
scs
__scs_entry_jumppad:
0x0: {  	(pc) =	sbr.rel $0x88, $3  }
0x1: {  	(tag) =	ssettag $0x0;
	lr =	simm.s32 $0x1  }
0x2: {  	[smem:$0x3F91] =	sst lr;
	_ =	strace $0xD0000000  }
0x3: {  	_ = 	snop  }
0x4: {  	_ = 	snop  }
0x5: {  	_ = 	snop  }
0x6: {  	_ = 	snop  }
0x7: {  	_ = 	snop  }
__scs_overlays_trampoline_lowered:
0x8: {  	[smem:$0x3FA0] =	sst s0  }
0x9: {  	[smem:$0x3FA1] =	sst s1  }
0xa: {  	[smem:$0x3FA2] =	sst s2  }
0xb: {  	[smem:$0x3FA3] =	sst s3  }
0xc: {  	[smem:$0x3FA4] =	sst s4  }
0xd: {  	[smem:$0x3FA5] =	sst s5  }
0xe: {  	[smem:$0x3FA6] =	sst s6  }
0xf: {  	[smem:$0x3FA7] =	sst s7  }
0x10: {  	[smem:$0x3FA8] =	sst s8  }
0x11: {  	[smem:$0x3FA9] =	sst s9;
	s0 =	simm.s32 @!p0 $0x0  }
0x12: {  	s1 =	sld [smem:$0x3F8F];
	s0 =	simm.s32 @p0 $0x1  }
0x13: {  	[smem:$0x3FAA] =	sst s0;
	s0 =	simm.s32 @!p1 $0x0  }
0x14: {  	s2 =	sld [smem:$0x3F8E];
	s0 =	simm.s32 @p1 $0x1  }
0x15: {  	[smem:$0x3FAB] =	sst s0;
	s0 =	simm.s32 @!p2 $0x0  }
0x16: {  	s3 =	sld [smem:$0x3FDB];
	s0 =	simm.s32 @p2 $0x1  }
0x17: {  	s4 =	simm.s32 $0x1BF5;
	[smem:$0x3FAD] =	sst s0  }
0x18: {  	s0 =	sld [smem:$0x3F90];
	_ =	swait.ge [sflag:s4], $0x0  }
0x19: {  	s7 =	sld [smem:$0x3F91]  }
0x1a: {  	s8 =	sadd.s32 $0xFFFFE003, lr  }
0x1b: {  	s9 =	sadd.s32 $0xFFFFFEF7, lr;
	s5 =	simm.s32 $0xFFFFFFFF;
	p2 =	slt.u32 s8, $0xFFFFF086  }
0x1c: {  	p1 =	slt.u32 s9, $0xF7A;
	s5 =	simm.s32 @!p2 $0x0  }
0x1d: {  	s5 =	simm.s32 @p1 $0x1;
	p0 =	seq.s32 s7, s2  }
0x1e: {  	s7 =	smul.u32 @!p0 $0xF7A, s2;
	p2 =	seq.s32 @!p0 s5, $0x0  }
0x1f: {  	s9 =	smul.u32 $0xF7A, s1;
	s8 =	simm.s32 @!p0 $0x1BF5;
	p2 =	por !p2, p0  }
0x20: {  	[sflag:s8] =	ssyncset.s32 @!p0 $0xFFFFF086;
	s6 =	sadd.s32 @!p0 s3, s7;
	s7 =	simm.s32 @!p0 $0x108  }
0x21: {  	s3 =	sadd.s32 s3, s9;
	s6 =	sadd.s32 @!p0 $0x88, s6;
	s7 =	simm.s32 @p2 $0x1082  }
0x22: {  	[simem:s7], [sflag:s8] =	dma.local @!p0 [hbm:s6], $0xF7A  }
0x23: {  	s9 =	sor.u32 $0xD0000000, s2;
	s6 =	simm.s32 $0x108;
	_ =	swait.ge @!p0 [sflag:s8], $0x0  }
0x24: {  	s3 =	sadd.s32 $0x88, s3;
	s6 =	simm.s32 @!p1 $0x1082;
	[sflag:s4] =	ssyncset.s32 $0xFFFFF086  }
0x25: {  	[simem:s6], [sflag:s4] =	dma.local [hbm:s3], $0xF7A  }
0x26: {  	[smem:$0x3F91] =	sst s1;
	(tag) =	ssettag s2;
	_ =	strace s9  }
0x27: {  	s1 =	sld [smem:$0x3FA1]  }
0x28: {  	s2 =	sld [smem:$0x3FA2]  }
0x29: {  	s4 =	sld [smem:$0x3FA4]  }
0x2a: {  	p0 =	seq.s32 s5, $0x0;
	s5 =	sld [smem:$0x3FA5]  }
0x2b: {  	s6 =	sld [smem:$0x3FA6]  }
0x2c: {  	s7 =	sld [smem:$0x3FA7]  }
0x2d: {  	s3 =	simm.s32 $0x108;
	s8 =	sld [smem:$0x3FA8]  }
0x2e: {  	s3 =	simm.s32 @!p0 $0x1082;
	s9 =	sld [smem:$0x3FA9]  }
0x2f: {  	lr =	sadd.s32 s0, s3;
	s0 =	sld [smem:$0x3FA0]  }
0x30: {  	s3 =	sld [smem:$0x3FA3]  }
0x31: {  	[smem:$0x3FAC] =	sst s10  }
0x32: {  	s10 =	sld [smem:$0x3FAA];
	_ =	sdelay $0x3  }
0x33: {  	p0 =	seq.s32 s10, $0x1;
	s10 =	sld [smem:$0x3FAC];
	_ =	sdelay $0x3  }
0x34: {  	[smem:$0x3FAC] =	sst s10  }
0x35: {  	s10 =	sld [smem:$0x3FAB];
	_ =	sdelay $0x3  }
0x36: {  	p1 =	seq.s32 s10, $0x1;
	s10 =	sld [smem:$0x3FAC];
	_ =	sdelay $0x3  }
0x37: {  	[smem:$0x3FAC] =	sst s10  }
0x38: {  	s10 =	sld [smem:$0x3FAD]  }
0x39: {  	_ = 	snop;
	(pc) =	sbr.ind lr, $3  }
0x3a: {  	_ = 	snop  }
0x3b: {  	_ = 	snop  }
0x3c: {  	p2 =	seq.s32 s10, $0x1;
	s10 =	sld [smem:$0x3FAC]  }
0x3d: {  	_ =	shalt  }
0x3e: {  	_ =	shalt  }
0x3f: {  	_ =	shalt  }
0x40: {  	_ =	shalt  }
0x41: {  	_ =	shalt  }
0x42: {  	_ =	shalt  }
0x43: {  	_ =	shalt  }
0x44: {  	_ =	shalt  }
0x45: {  	_ =	shalt  }
0x46: {  	_ =	shalt  }
0x47: {  	_ =	shalt  }
0x48: {  	_ =	shalt  }
0x49: {  	_ =	shalt  }
0x4a: {  	_ =	shalt  }
0x4b: {  	_ =	shalt  }
0x4c: {  	_ =	shalt  }
0x4d: {  	_ =	shalt  }
0x4e: {  	_ =	shalt  }
0x4f: {  	_ =	shalt  }
0x50: {  	_ =	shalt  }
0x51: {  	_ =	shalt  }
0x52: {  	_ =	shalt  }
0x53: {  	_ =	shalt  }
0x54: {  	_ =	shalt  }
0x55: {  	_ =	shalt  }
0x56: {  	_ =	shalt  }
0x57: {  	_ =	shalt  }
0x58: {  	_ =	shalt  }
0x59: {  	_ =	shalt  }
0x5a: {  	_ =	shalt  }
0x5b: {  	_ =	shalt  }
0x5c: {  	_ =	shalt  }
0x5d: {  	_ =	shalt  }
0x5e: {  	_ =	shalt  }
0x5f: {  	_ =	shalt  }
0x60: {  	_ =	shalt  }
0x61: {  	_ =	shalt  }
0x62: {  	_ =	shalt  }
0x63: {  	_ =	shalt  }
0x64: {  	_ =	shalt  }
0x65: {  	_ =	shalt  }
0x66: {  	_ =	shalt  }
0x67: {  	_ =	shalt  }
0x68: {  	_ =	shalt  }
0x69: {  	_ =	shalt  }
0x6a: {  	_ =	shalt  }
0x6b: {  	_ =	shalt  }
0x6c: {  	_ =	shalt  }
0x6d: {  	_ =	shalt  }
0x6e: {  	_ =	shalt  }
0x6f: {  	_ =	shalt  }
0x70: {  	_ =	shalt  }
0x71: {  	_ =	shalt  }
0x72: {  	_ =	shalt  }
0x73: {  	_ =	shalt  }
0x74: {  	_ =	shalt  }
0x75: {  	_ =	shalt  }
0x76: {  	_ =	shalt  }
0x77: {  	_ =	shalt  }
0x78: {  	_ =	shalt  }
0x79: {  	_ =	shalt  }
0x7a: {  	_ =	shalt  }
0x7b: {  	_ =	shalt  }
0x7c: {  	_ =	shalt  }
0x7d: {  	_ =	shalt  }
0x7e: {  	_ =	shalt  }
0x7f: {  	_ =	shalt  }
0x80: {  	_ =	shalt  }
0x81: {  	_ =	shalt  }
0x82: {  	_ =	shalt  }
0x83: {  	_ =	shalt  }
0x84: {  	_ =	shalt  }
0x85: {  	_ =	shalt  }
0x86: {  	_ =	shalt  }
0x87: {  	_ =	shalt  }
.Lfunc_end0:
.L_simem_size_0:
called_computation_lowered:
.L_overlay_start_0:
0x88: {  	s2 =	sld [smem:$0x3FD9]  }
0x89: {  	s3 =	sld [smem:$0x3FFE];
	_ =	sdelay $0x1  }
0x8a: {  	s1 =	srdreg.scid  }
0x8b: {  	s0 =	sand.u32 $0x1, s1  }
0x8c: {  	s17 =	sshll.u32 s0, $0xA;
	s2 =	sadd.s32 s3, s2  }
0x8d: {  	s2 =	sadd.s32 s2, s17  }
0x8e: {  	[smem:$0x3FB8] =	sst s2  }
0x8f: {  	_ = 	snop  }
0x90: {  	s2 =	sld [smem:$0x3FD0];
	(tm) =	ssettm $0x1  }
0x91: {  	s18 =	sld [smem:$0x3FFB];
	_ =	sdelay $0x3  }
0x92: {  	_ =	strace s18  }
0x93: {  	s3 =	sld [smem:$0x3FFC];
	_ =	sdelay $0x3  }
0x94: {  	_ =	strace s3  }
0x95: {  	s3 =	sld [smem:$0x3FFD];
	_ =	sdelay $0x3  }
0x96: {  	_ =	strace s3  }
0x97: {  	_ =	strace $0x8FFFFFFF  }
0x98: {  	s19 =	sld [smem:$0x3FDB];
	_ =	sdelay $0x1  }
0x99: {  	s4 =	simm.s32 $_scs_section_size  }
0x9a: {  	s5 =	simm.s32 $_size__tile_overlayer_lowered;
	s6 =	simm.s32 $_tile_overlayer_lowered  }
0x9b: {  	s22 =	simm.s32 $0x1BFF;
	s21 =	sshll.u32 s6, $0x1;
	s3 =	sadd.s32 s4, s19  }
0x9c: {  	s7 =	simm.s32 $0x0;
	s20 =	sshll.u32 s5, $0x1;
	s5 =	sadd.s32 s21, s3  }
0x9d: {  	[timem:s7], [sflag:s22] =	dma.local [hbm:s5], s20  }
0x9e: {  	_ =	swait.ge [sflag:s22], s20  }
0x9f: {  	s4 =	ssub.s32 $0x0, s20;
	[sflag:s22] =	ssyncset.done $0x0  }
0xa0: {  	[sflag:s22] =	ssyncadd.s32 s4;
	_ =	sdelay $0x1  }
0xa1: {  	s23 =	simm.s32 $0x1B8B  }
0xa2: {  	_ =	swait.ge [sflag:s23], $0x1  }
0xa3: {  	[sflag:s23] =	ssyncset.done $0x0  }
0xa4: {  	s25 =	simm.s32 $0x1B8E;
	s24 =	sld [smem:$0x3FFE];
	[sflag:s23] =	ssyncadd.s32 $0xFFFFFFFF  }
0xa5: {  	s26 =	simm.s32 $execute0_lowered;
	[smem:$0x3FD2] =	sst s25  }
0xa6: {  	s5 =	sshll.u32 s26, $0x1;
	_ =	strace $0x80000046;
	[dreg:$0x1] =	wrdreg $0xFFFFFFFF  }
0xa7: {  	s28 =	simm.s32 $_size_execute0_lowered;
	s3 =	sadd.s32 s3, s5;
	[dreg:$0x0] =	wrdreg $0x0  }
0xa8: {  	s5 =	sshll.u32 s28, $0x1;
	[dreg:$0x2] =	wrdreg s3  }
0xa9: {  	[dreg:$0x3] =	wrdreg s5  }
0xaa: {  	[dreg:$0x4] =	wrdreg $0xC0  }
0xab: {  	_ =	task [dreg:s7], $0x5FFFF  }
0xac: {  	[dreg:$0x1] =	wrdreg $0xFFFFFFFF  }
0xad: {  	[dreg:$0x0] =	wrdreg $0x60  }
0xae: {  	[dreg:$0x2] =	wrdreg s24  }
0xaf: {  	[dreg:$0x3] =	wrdreg s2  }
0xb0: {  	[dreg:$0x4] =	wrdreg $0x2B000  }
0xb1: {  	[dreg:$0x5] =	wrdreg $0x9  }
0xb2: {  	_ =	task.clear_ibuf [dreg:s7], $0x6FFFF;
	_ =	strace $0x90000046  }
0xb3: {  	s29 =	simm.s32 $0x9;
	_ =	strace $0x80000048  }
0xb4: {  	_ =	swait.ge [sflag:s29], $0x1  }
0xb5: {  	[sflag:s29] =	ssyncadd.s32 $0xFFFFFFFF  }
0xb6: {  	_ =	strace $0x90000048  }
0xb7: {  	_ =	sfence  }
0xb8: {  	s30 =	sld [smem:$0x0];
	_ =	sdelay $0x2  }
0xb9: {  	s31 =	sshll.u32 s1, $0xD;
	s1 =	sshrl.u32 s1, $0x2  }
0xba: {  	s3 =	sand.u32 $0x4000, s31;
	s1 =	sadd.s32 s1, s30  }
0xbb: {  	s0 =	sor.u32 s3, s0;
	s1 =	sshll.u32 s1, $0x11  }
0xbc: {  	s0 =	sor.u32 s1, s0  }
0xbd: {  	s0 =	sadd.s32 $0x8F2B, s0  }
0xbe: {  	[sflag:s0] =	ssyncadd.remote.s32 $0x1  }
0xbf: {  	_ =	sfence.sel $0xFFFF  }
0xc0: {  	[dreg:$0x0] =	wrdreg $0xFFFFFFFF;
	(pc) =	sbr.abs _section_cstart, $3  }
0xc1: {  	[dreg:$0x1] =	wrdreg $0xFFFFFFFF  }
0xc2: {  	_ =	task.clear_ibuf [dreg:s7], $0x2FFFF;
	_ =	strace $0x9FFFFFFF  }
0xc3: {  	(tm) =	ssettm $0x7FFFFFFF  }
tec
execute0_lowered:
.L_overlay_start_1:
0x0: {  	(tag) =	ssettag $0x1  }
0x1: {  	s3 =	rddreg [dreg:$0x0]  }
0x2: {  	s0 =	srdreg.scid;
	s5 =	rddreg [dreg:$0x1]  }
0x3: {  	s10 =	stileid.u32;
	s1 =	rddreg [dreg:$0x2];
	s2 =	simm.s32 $0x0  }
0x4: {  	s12 =	simm.s32 $0x0;
	s4 =	sand.u32 $0x1, s0;
	s0 =	rddreg [dreg:$0x3]  }
0x5: {  	[smem:$0x7FF] =	sst s2;
	s8 =	smul.u32 $0xA00, s10;
	p0 =	sne.s32 s10, $0x0  }
0x6: {  	s6 =	sshll.u32 s4, $0x4;
	_ =	strace $0x80000047;
	s4 =	ssub.s32 $0x2, s4  }
0x7: {  	s11 =	sshrl.u32 @!p0 s1, $0x3;
	s7 =	sor.u32 s10, s6;
	s31 =	sshrl.u32 s4, $0x1  }
0x8: {  	s8 =	sshrl.u32 s8, $0x2;
	s7 =	smul.u32 $0x500, s7;
	s9 =	ssub.s32 s4, s31  }
0x9: {  	s5 =	sadd.s32 s5, s6;
	s10 =	simm.s32 $0x2800;
	s6 =	smax.u32 s9, $0x1  }
0xa: {  	s9 =	simm.s32 $0x80;
	s7 =	sadd.s32 s7, s3;
	s3 =	sadd.s32 s8, s1  }
0xb: {  	v0 =	vimm.f32 $0.0e+00;
	v1 =	vimm.f32 $1.000000000e+00;
	s8 =	simm.s32 $0x1;
	s4 =	sadd.s32 $0xC800, s7;
	s7 =	simm.s32 $0x2880  }
.LBB2_1:
0xc: {  	[tilespmem:$0x2880] =	vst v0  }
0xd: {  	[tilespmem:$0x2890] =	vst v0  }
0xe: {  	[tilespmem:$0x28A0] =	vst v0  }
0xf: {  	[tilespmem:$0x28B0] =	vst v0  }
0x10: {  	[tilespmem:$0x28C0] =	vst v0  }
0x11: {  	[tilespmem:$0x28D0] =	vst v0  }
0x12: {  	[tilespmem:$0x28E0] =	vst v0  }
0x13: {  	[tilespmem:$0x28F0] =	vst v0  }
0x14: {  	[tilespmem:$0x2900] =	vst v0  }
0x15: {  	[tilespmem:$0x2910] =	vst v0  }
0x16: {  	[tilespmem:$0x2920] =	vst v0  }
0x17: {  	[tilespmem:$0x2930] =	vst v0  }
0x18: {  	[tilespmem:$0x2940] =	vst v0  }
0x19: {  	[tilespmem:$0x2950] =	vst v0  }
0x1a: {  	[tilespmem:$0x2960] =	vst v0  }
0x1b: {  	[tilespmem:$0x2970] =	vst v0  }
0x1c: {  	[tilespmem:$0x2980] =	vst v0  }
0x1d: {  	[tilespmem:$0x2990] =	vst v0  }
0x1e: {  	[tilespmem:$0x29A0] =	vst v0  }
0x1f: {  	[tilespmem:$0x29B0] =	vst v0  }
0x20: {  	[tilespmem:$0x29C0] =	vst v0  }
0x21: {  	[tilespmem:$0x29D0] =	vst v0  }
0x22: {  	[tilespmem:$0x29E0] =	vst v0  }
0x23: {  	[tilespmem:$0x29F0] =	vst v0  }
0x24: {  	[tilespmem:$0x2A00] =	vst v0  }
0x25: {  	[tilespmem:$0x2A10] =	vst v0  }
0x26: {  	[tilespmem:$0x2A20] =	vst v0  }
0x27: {  	[tilespmem:$0x2A30] =	vst v0  }
0x28: {  	[tilespmem:$0x2A40] =	vst v0  }
0x29: {  	[tilespmem:$0x2A50] =	vst v0  }
0x2a: {  	[tilespmem:$0x2A60] =	vst v0  }
0x2b: {  	[tilespmem:$0x2A70] =	vst v0  }
0x2c: {  	[tilespmem:$0x2A80] =	vst v0  }
0x2d: {  	[tilespmem:$0x2A90] =	vst v0  }
0x2e: {  	[tilespmem:$0x2AA0] =	vst v0  }
0x2f: {  	[tilespmem:$0x2AB0] =	vst v0  }
0x30: {  	[tilespmem:$0x2AC0] =	vst v0  }
0x31: {  	[tilespmem:$0x2AD0] =	vst v0  }
0x32: {  	[tilespmem:$0x2AE0] =	vst v0  }
0x33: {  	[tilespmem:$0x2AF0] =	vst v0  }
0x34: {  	[tilespmem:$0x2800] =	vst v1  }
0x35: {  	[tilespmem:$0x2810] =	vst v1  }
0x36: {  	[tilespmem:$0x2820] =	vst v1  }
0x37: {  	[tilespmem:$0x2830] =	vst v1  }
0x38: {  	[tilespmem:$0x2840] =	vst v1  }
0x39: {  	[tilespmem:$0x2850] =	vst v1  }
0x3a: {  	[tilespmem:$0x2860] =	vst v1  }
0x3b: {  	[tilespmem:$0x2870] =	vst v1  }
0x3c: {  	[spmem:s3] =	stream.linear.scatter [tilespmem:s7], [sflag:$0x1], $0x280, $0x38;
	[tilespmem:$0x2D80] =	vst v63  }
0x3d: {  	_ =	swait.ge [sflag:s8], $0x280  }
0x3e: {  	[sflag:s8] =	ssyncset.done $0x0  }
0x3f: {  	[sflag:s8] =	ssyncadd.s32 $0xFFFFFD80  }
0x40: {  	[tilespmem:s2], [sflag:$0x1] =	stream.linear.gather [hbm4b:s4+s2], $0x2780, $0x38;
	[tilespmem:$0x2D80] =	vst v63  }
0x41: {  	_ =	swait.ge [sflag:s8], $0x2780  }
0x42: {  	[sflag:s8] =	ssyncset.done $0x0  }
0x43: {  	[sflag:s8] =	ssyncadd.s32 $0xFFFFD880  }
0x44: {  	s13 =	simm.s32 $0x0;
	[bflag:$0x0] =	sbarrier.arrive $0xFFFF  }
0x45: {  	[spmem:s1] =	stream.indirect.scatter.add.f32 [tilespmem:s10], [sflag:$0x1], $0x1, s13, s9, $0xb8;
	[tilespmem:$0x2D80] =	vst v63  }
0x46: {  	_ =	swait.ge [sflag:s8], $0x80  }
0x47: {  	s13 =	simm.s32 $0x200;
	[sflag:s8] =	ssyncset.done $0x0  }
.LBB2_2:
0x48: {  	s14 =	sshra.s32 s13, $0x2;
	[sflag:s8] =	ssyncadd.s32 $0xFFFFFF80;
	p1 =	sne.s32 s13, $0x9C00  }
0x49: {  	[spmem:s1] =	stream.indirect.scatter.add.f32 [tilespmem:s10], [sflag:$0x1], $0x1, s14, s9, $0xb8;
	[tilespmem:$0x2D80] =	vst v63  }
.Ltmp0:
0x4a: {  	_ = 	snop;
	(pc) =	sbr.rel @p1 .LBB2_2-.Ltmp0, $4  }
0x4b: {  	_ = 	snop  }
0x4c: {  	s13 =	sadd.s32 $0x200, s13  }
0x4d: {  	_ =	swait.ge [sflag:s8], $0x80  }
0x4e: {  	[sflag:s8] =	ssyncset.done $0x0  }
0x4f: {  	[sflag:s8] =	ssyncadd.s32 $0xFFFFFF80;
	s13 =	simm.s32 @!p0 $0x1;
	s12 =	sadd.s32 $0x1, s12  }
0x50: {  	s14 =	simm.s32 @!p0 $0x20;
	s15 =	simm.s32 @!p0 $0x10;
	p1 =	sne.s32 s12, s6  }
.Ltmp1:
0x51: {  	s16 =	simm.s32 @!p0 $0x1C01;
	[bflag:$0x0] =	sbarrier.arrive $0xFFFF;
	(pc) =	sbr.rel @p1 .LBB2_1-.Ltmp1, $4  }
0x52: {  	[hbm:s5@s14], [sflag:s16] =	dma.strided @!p0 [spmem:s11@s15], $0x500, s13, $0x10   }
0x53: {  	_ =	swait.ge @!p0 [sflag:s13], $0x500  }
0x54: {  	[sflag:s13] =	ssyncset.done @!p0 $0x0  }
0x55: {  	[sflag:s13] =	ssyncadd.s32 @!p0 $0xFFFFFB00  }
0x56: {  	_ =	sfence.sel $0x180000  }
0x57: {  	[bflag:$0x0] =	sbarrier.arrive $0xFFFF  }
0x58: {  	_ =	strace $0x90000047  }
0x59: {  	s0 =	sadd.s32 @!p0 $0x100000, s0;
	[bflag:$0x2] =	sbarrier.arrive $0xFFFF  }
0x5a: {  	[sflag:s0] =	ssyncadd.tile.s32 @!p0 $0x1;
	_ =	shalt  }
.Lfunc_end2:
_tile_overlayer_lowered:
.L_overlay_start_2:
0x5b: {  	(tag) =	ssettag $0x2  }
0x5c: {  	s0 =	rddreg [dreg:$0x0];
	s2 =	stileid.u32  }
0x5d: {  	s1 =	rddreg [dreg:$0x1];
	p0 =	sne.s32 s2, $0x0  }
0x5e: {  	s3 =	rddreg [dreg:$0x2];
	[bflag:$0x3] =	sbarrier.arrive $0xFFFF;
	s2 =	simm.s32 @!p0 $0x1C01  }
0x5f: {  	[timem:s3], [sflag:s2] =	dma.local @!p0 [hbm:s0], s1  }
0x60: {  	s0 =	simm.s32 @!p0 $0x1  }
0x61: {  	_ =	swait.ge @!p0 [sflag:s0], s1  }
0x62: {  	s1 =	ssub.s32 @!p0 $0x0, s1;
	[sflag:s0] =	ssyncset.done @!p0 $0x0  }
0x63: {  	[sflag:s0] =	ssyncadd.s32 @!p0 s1  }
0x64: {  	[bflag:$0x3] =	sbarrier.arrive $0xFFFF  }
0x65: {  	_ =	shalt  }

</sc_bundles>
